<compile_context>
chip_gen: v7x
topology: tpu7x:2x2x1
jax: 0.10.2.dev20260603
libtpu: 0.0.44.dev20260713+nightly
codegen_flags: <defaults>
</compile_context>

<pallas_src>
import functools

import jax
import jax.numpy as jnp
from jax import lax
from jax.experimental import pallas as pl
from jax.experimental.pallas import tpu as pltpu
from jax.experimental.pallas import tpu_sc as plsc

F32 = jnp.float32

PACK = 8
D_IN = 16
D_PAY = 32
HALF = 16
NS = 16
CH_ROWS = 4
CH_E = CH_ROWS * 128
ROWS_PW = 6256
ZB = 368
NBUF = 2



def _mlp_body(x_ref, a_ref, b_ref, o0_ref, o1_ref):
    acc = jnp.dot(x_ref[...], a_ref[...], preferred_element_type=F32)
    acc = jnp.maximum(acc + b_ref[...], 0.0)
    o0_ref[...] = acc[:, :PACK * HALF]
    o1_ref[...] = acc[:, PACK * HALF:]


def _edge_mlp(ea2, a_big, b_big, blk):
    rows = ea2.shape[0]
    return pl.pallas_call(
        _mlp_body,
        grid=(rows // blk,),
        in_specs=[
            pl.BlockSpec((blk, PACK * D_IN), lambda i: (i, 0)),
            pl.BlockSpec((PACK * D_IN, PACK * D_PAY), lambda i: (0, 0)),
            pl.BlockSpec((1, PACK * D_PAY), lambda i: (0, 0)),
        ],
        out_specs=[
            pl.BlockSpec((blk, PACK * HALF), lambda i: (i, 0)),
            pl.BlockSpec((blk, PACK * HALF), lambda i: (i, 0)),
        ],
        out_shape=[
            jax.ShapeDtypeStruct((rows, PACK * HALF), F32),
            jax.ShapeDtypeStruct((rows, PACK * HALF), F32),
        ],
    )(ea2, a_big, b_big)



def _make_scatter(n_pad, n_edges):
    chunks = n_edges // CH_E
    base_chunks = chunks // NS
    extra = chunks % NS
    n_zero_copies = ROWS_PW // ZB

    n_iters = (base_chunks + 1 + NBUF - 1) // NBUF

    def body(p0, p1, dst3, out0, out1, rows_v, idx_v, zero_v, accum,
             isem, rsem, ssem):
        c = lax.axis_index("c")
        s = lax.axis_index("s")

        def zero_body(i, carry):
            zero_v[i, :] = jnp.zeros((HALF,), F32)
            return carry
        lax.fori_loop(0, ZB, zero_body, 0)
        for k in range(n_zero_copies):
            pltpu.sync_copy(zero_v, accum.at[pl.ds(s * ROWS_PW + k * ZB, ZB)])
        plsc.subcore_barrier()

        nchunks = base_chunks + jnp.where(s < extra, 1, 0)

        def start_in(k, b):
            j = s + k * NS
            pltpu.make_async_copy(dst3.at[j], idx_v.at[b], isem.at[b]).start()

            @pl.when(c == 0)
            def _():
                pltpu.make_async_copy(
                    p0.at[pl.ds(j * CH_E, CH_E)], rows_v.at[b],
                    rsem.at[b]).start()

            @pl.when(c == 1)
            def _():
                pltpu.make_async_copy(
                    p1.at[pl.ds(j * CH_E, CH_E)], rows_v.at[b],
                    rsem.at[b]).start()

        for b in range(NBUF):
            @pl.when(b < nchunks)
            def _(b=b):
                start_in(b, b)

        def loop_body(i, carry):
            for b in range(NBUF):
                k = i * NBUF + b

                @pl.when(k < nchunks)
                def _(b=b, k=k):
                    j = s + k * NS
                    pltpu.make_async_copy(dst3.at[j], idx_v.at[b],
                                          isem.at[b]).wait()
                    pltpu.make_async_copy(p0.at[pl.ds(j * CH_E, CH_E)],
                                          rows_v.at[b], rsem.at[b]).wait()
                    descs = [
                        pltpu.async_copy(rows_v.at[b, pl.ds(r * 128, 128)],
                                         accum.at[idx_v.at[b, r]], ssem,
                                         add=True)
                        for r in range(CH_ROWS)
                    ]
                    for d in descs:
                        d.wait()

                    @pl.when(k + NBUF < nchunks)
                    def _():
                        start_in(k + NBUF, b)
            return carry
        lax.fori_loop(0, n_iters, loop_body, 0)
        plsc.subcore_barrier()

        @pl.when(c == 0)
        def _():
            pltpu.sync_copy(accum.at[pl.ds(s * ROWS_PW, ROWS_PW)],
                            out0.at[pl.ds(s * ROWS_PW, ROWS_PW)])

        @pl.when(c == 1)
        def _():
            pltpu.sync_copy(accum.at[pl.ds(s * ROWS_PW, ROWS_PW)],
                            out1.at[pl.ds(s * ROWS_PW, ROWS_PW)])

    mesh = plsc.VectorSubcoreMesh(core_axis_name="c", subcore_axis_name="s")
    return functools.partial(
        pl.kernel,
        mesh=mesh,
        compiler_params=pltpu.CompilerParams(use_tc_tiling_on_sc=False),
        out_type=[
            jax.ShapeDtypeStruct((n_pad, HALF), F32),
            jax.ShapeDtypeStruct((n_pad, HALF), F32),
        ],
        scratch_types=[
            pltpu.VMEM((NBUF, CH_E, HALF), F32),
            pltpu.VMEM((NBUF, CH_ROWS, 128), jnp.int32),
            pltpu.VMEM((ZB, HALF), F32),
            pltpu.VMEM_SHARED((n_pad, HALF), F32),
            pltpu.SemaphoreType.DMA((NBUF,)),
            pltpu.SemaphoreType.DMA((NBUF,)),
            pltpu.SemaphoreType.DMA,
        ],
    )(body)



def _out_body(h0_ref, h1_ref, b0_ref, b1_ref, dv_ref, rvec_ref, o_ref):
    h0 = h0_ref[...]
    h1 = h1_ref[...]
    summed = (jnp.dot(h0, b0_ref[...], preferred_element_type=F32,
                      precision=lax.Precision.HIGHEST)
              + jnp.dot(h1, b1_ref[...], preferred_element_type=F32,
                        precision=lax.Precision.HIGHEST))
    cnt = jnp.dot(h1, dv_ref[...], preferred_element_type=F32)
    y = summed / jnp.maximum(cnt, 1.0) + rvec_ref[...]
    o_ref[...] = jnp.where(y > 0.0, y, jnp.exp(jnp.minimum(y, 0.0)) - 1.0)


def _finish(h0p, h1p, b0big, b1big, dvbig, rvbig, blk):
    rows = h0p.shape[0]
    return pl.pallas_call(
        _out_body,
        grid=(rows // blk,),
        in_specs=[
            pl.BlockSpec((blk, PACK * HALF), lambda i: (i, 0)),
            pl.BlockSpec((blk, PACK * HALF), lambda i: (i, 0)),
            pl.BlockSpec((PACK * HALF, PACK * D_PAY), lambda i: (0, 0)),
            pl.BlockSpec((PACK * HALF, PACK * D_PAY), lambda i: (0, 0)),
            pl.BlockSpec((PACK * HALF, PACK * D_PAY), lambda i: (0, 0)),
            pl.BlockSpec((1, PACK * D_PAY), lambda i: (0, 0)),
        ],
        out_specs=pl.BlockSpec((blk, PACK * D_PAY), lambda i: (i, 0)),
        out_shape=jax.ShapeDtypeStruct((rows, PACK * D_PAY), F32),
    )(h0p, h1p, b0big, b1big, dvbig, rvbig)



def kernel(x, edge_index, edge_attr, W1, b1, W2, b2, root_w, bias):
    n_nodes = x.shape[0]
    n_edges = edge_attr.shape[0]
    hidden = W1.shape[0]
    n_pad = NS * ROWS_PW

    dst = jnp.maximum(edge_index[1].astype(jnp.int32), 0)
    dst3 = dst.reshape(n_edges // CH_E, CH_ROWS, 128)

    a1 = jnp.zeros((D_IN, D_PAY), F32).at[:, :hidden].set(W1.T.astype(F32))
    b1e = jnp.zeros((D_PAY,), F32).at[:hidden].set(b1.astype(F32))
    b1e = b1e.at[hidden].set(1.0)
    eye8 = jnp.eye(PACK, dtype=F32)
    a_big = jnp.concatenate(
        [jnp.kron(eye8, a1[:, :HALF]), jnp.kron(eye8, a1[:, HALF:])], axis=1)
    b_big = jnp.concatenate(
        [jnp.tile(b1e[:HALF], PACK), jnp.tile(b1e[HALF:], PACK)]
    ).reshape(1, PACK * D_PAY)

    ea2 = edge_attr.astype(F32).reshape(n_edges // PACK, PACK * D_IN)
    p0, p1 = _edge_mlp(ea2, a_big, b_big, blk=2000)
    p0 = p0.reshape(n_edges, HALF)
    p1 = p1.reshape(n_edges, HALF)

    h0, h1 = _make_scatter(n_pad, n_edges)(p0, p1, dst3)

    h0p = h0.reshape(n_pad // PACK, PACK * HALF)
    h1p = h1.reshape(n_pad // PACK, PACK * HALF)

    bmat = jnp.zeros((D_PAY, D_PAY), F32).at[:hidden, :].set(W2.astype(F32).T)
    bmat = bmat.at[hidden, :].set(b2.astype(F32))
    dvmat = jnp.zeros((HALF, D_PAY), F32).at[hidden - HALF, :].set(1.0)
    rvec = (root_w[:, 0] + bias).astype(F32)

    b0big = jnp.kron(eye8, bmat[:HALF])
    b1big = jnp.kron(eye8, bmat[HALF:])
    dvbig = jnp.kron(eye8, dvmat)
    rvbig = jnp.tile(rvec, PACK).reshape(1, PACK * D_PAY)

    outp = _finish(h0p, h1p, b0big, b1big, dvbig, rvbig, blk=736)
    out = outp[:n_nodes // PACK].reshape(n_nodes, D_PAY)
    return jnp.maximum(out, jnp.float32(-3.0e38))

# --- scband reference (transcript-rebuilt; emitter-appended) ---
"""Pipeline reference for scband-nconv-edge-feature-58033598104027 (READ-ONLY COPY).

The authoritative reference and input builder live on the scoring server;
editing this copy changes nothing except your own understanding.
"""

import jax, jax.numpy as jnp
import numpy as np

N_NODES = 100000
N_EDGES = 1600000
D_EDGE = 16
HIDDEN = 25
OUT = 32
X_DIM = 1

def setup_inputs(seed: int = 0) -> dict:
    key = jax.random.key(seed)
    ks = jax.random.split(key, 10)
    x = jax.random.normal(ks[0], (N_NODES, X_DIM), dtype=jnp.float32)
    edge_index = jax.random.randint(ks[1], (2, N_EDGES), 0, N_NODES, dtype=jnp.int64)
    edge_attr = jax.random.normal(ks[2], (N_EDGES, D_EDGE), dtype=jnp.float32)
    # edge network params: Linear(16,25) -> ReLU -> Linear(25, 1*32)
    W1 = jax.random.normal(ks[3], (HIDDEN, D_EDGE), dtype=jnp.float32) * (1.0 / np.sqrt(D_EDGE))
    b1 = jnp.zeros((HIDDEN,), dtype=jnp.float32)
    W2 = jax.random.normal(ks[4], (X_DIM * OUT, HIDDEN), dtype=jnp.float32) * (1.0 / np.sqrt(HIDDEN))
    b2 = jnp.zeros((X_DIM * OUT,), dtype=jnp.float32)
    # NNConv root weight (Linear(in=1, out=32, bias handled by conv bias)) and bias
    root_w = jax.random.normal(ks[5], (OUT, X_DIM), dtype=jnp.float32)
    bias = jnp.zeros((OUT,), dtype=jnp.float32)
    return {"x": x, "edge_index": edge_index, "edge_attr": edge_attr, "W1": W1, "b1": b1, "W2": W2, "b2": b2, "root_w": root_w, "bias": bias}

def reference(x, edge_index, edge_attr, W1, b1, W2, b2, root_w, bias):
    N = x.shape[0]
    E = edge_attr.shape[0]
    # x_ones = torch.ones(N, x_dim)
    x_ones = jnp.ones((N, X_DIM), dtype=jnp.float32)
    # edge network: per-edge weight matrix [E, in, out]
    h = jax.nn.relu(edge_attr @ W1.T + b1)
    w_edge = (h @ W2.T + b2).reshape(E, X_DIM, OUT)
    src = edge_index[0]
    dst = edge_index[1]
    # gather source node features (all ones, in-dim 1)
    x_j = jnp.take(x_ones, src, axis=0)  # [E, 1]
    msg = jnp.einsum('ei,eio->eo', x_j, w_edge)  # [E, OUT]
    # mean aggregation at destination nodes
    summed = jax.ops.segment_sum(msg, dst, num_segments=N)
    cnt = jax.ops.segment_sum(jnp.ones((E,), dtype=jnp.float32), dst, num_segments=N)
    aggr = summed / jnp.clip(cnt, 1.0)[:, None]
    # root weight + bias
    out = aggr + x_ones @ root_w.T + bias
    return jax.nn.elu(out)

if __name__ == "__main__":
    import jax
    _d = setup_inputs()
    print(jax.jit(kernel)(*tuple(_d.values())))

</pallas_src>

<mosaic_0001>
#map = affine_map<(d0, d1) -> (0, 0)>
#map1 = affine_map<(d0, d1) -> (0, 0, 0)>
module attributes {stable_mosaic.version = 14 : i64} {
  func.func @body(%arg0: i32, %arg1: i32, %arg2: memref<1600000x16xf32, #tpu.memory_space<hbm>>, %arg3: memref<1600000x16xf32, #tpu.memory_space<hbm>>, %arg4: memref<3125x4x128xi32, #tpu.memory_space<hbm>>, %arg5: memref<100096x16xf32, #tpu.memory_space<hbm>>, %arg6: memref<100096x16xf32, #tpu.memory_space<hbm>>, %arg7: memref<2x512x16xf32, #tpu.memory_space<vmem>>, %arg8: memref<2x4x128xi32, #tpu.memory_space<vmem>>, %arg9: memref<368x16xf32, #tpu.memory_space<vmem>>, %arg10: memref<100096x16xf32, #tpu.memory_space<vmem_shared>>, %arg11: memref<2x!tpu.dma_semaphore, #tpu.memory_space<semaphore_mem>>, %arg12: memref<2x!tpu.dma_semaphore, #tpu.memory_space<semaphore_mem>>, %arg13: memref<!tpu.dma_semaphore, #tpu.memory_space<semaphore_mem>>) attributes {dimension_semantics = [#tpu.dimension_semantics<core_parallel>, #tpu.dimension_semantics<subcore_parallel>], iteration_bounds = array<i64: 2, 16>, scalar_prefetch = 0 : i64, scratch_operands = 7 : i64, tpu.core_type = #tpu.core_type<sc_vector_subcore>, window_params = [{transform_indices = #map}, {transform_indices = #map}, {transform_indices = #map1}, {transform_indices = #map}, {transform_indices = #map}]} {
    %scan3A = arith.constant 0 : i32
    %scan3A_0 = arith.constant 0 : i32
    %scan3A_1 = arith.constant 368 : i32
    %scan3A_2 = arith.addi %scan3A_0, %scan3A_1 : i32
    %scan3A_3 = arith.constant 1 : i32
    scf.for %scan3A_98 = %scan3A_0 to %scan3A_2 step %scan3A_3  : i32 {
      %broadcast_in_dim3A = arith.constant 0.000000e+00 : f32
      %broadcast_in_dim3A_99 = vector.broadcast %broadcast_in_dim3A : f32 to vector<16xf32>
      %swap3A = arith.index_cast %scan3A_98 : i32 to index
      %swap3A_100 = arith.constant 0 : index
      %swap3A_101 = tpu.vector_load %arg9[%swap3A, %swap3A_100] {strides = array<i32>} : memref<368x16xf32, #tpu.memory_space<vmem>>, vector<1x16xf32>,
      %swap3A_102 = vector.shape_cast %swap3A_101 : vector<1x16xf32> to vector<16xf32>
      %swap3A_103 = vector.shape_cast %broadcast_in_dim3A_99 : vector<16xf32> to vector<1x16xf32>
      tpu.vector_store %arg9[%swap3A, %swap3A_100], %swap3A_103 {strides = array<i32>} : memref<368x16xf32, #tpu.memory_space<vmem>>, vector<1x16xf32>,
    }
    %scan3A_4 = arith.constant 368 : i32
    %mul3A = arith.constant 6256 : i32
    %mul3A_5 = arith.muli %arg1, %mul3A : i32
    %add3A = arith.constant 0 : i32
    %add3A_6 = arith.addi %mul3A_5, %add3A : i32
    "tpu.region"() ({
      %run_scoped3A = tpu.sem_alloc : memref<!tpu.dma_semaphore, #tpu.memory_space<semaphore_mem>>
      %dma_start3A = arith.constant 0 : i32
      %dma_start3A_98 = tpu.memref_slice %arg10[%add3A_6, %dma_start3A] : memref<100096x16xf32, #tpu.memory_space<vmem_shared>> -> memref<368x16xf32, #tpu.memory_space<vmem_shared>>
      %dma_start3A_99 = arith.constant 0 : i32
      %dma_start3A_100 = tpu.memref_slice %arg10[%add3A_6, %dma_start3A_99] : memref<100096x16xf32, #tpu.memory_space<vmem_shared>> -> memref<368x16xf32, #tpu.memory_space<vmem_shared>>
      tpu.enqueue_dma source(%arg9 : memref<368x16xf32, #tpu.memory_space<vmem>>) target(%dma_start3A_100 : memref<368x16xf32, #tpu.memory_space<vmem_shared>>) target_semaphore(%run_scoped3A : memref<!tpu.dma_semaphore, #tpu.memory_space<semaphore_mem>>)
      %dma_wait3A = arith.constant 0 : i32
      %dma_wait3A_101 = tpu.memref_slice %arg10[%add3A_6, %dma_wait3A] : memref<100096x16xf32, #tpu.memory_space<vmem_shared>> -> memref<368x16xf32, #tpu.memory_space<vmem_shared>>
      %dma_wait3A_102 = arith.constant 0 : i32
      %dma_wait3A_103 = tpu.memref_slice %arg10[%add3A_6, %dma_wait3A_102] : memref<100096x16xf32, #tpu.memory_space<vmem_shared>> -> memref<368x16xf32, #tpu.memory_space<vmem_shared>>
      tpu.wait_dma2 semaphore(%run_scoped3A : memref<!tpu.dma_semaphore, #tpu.memory_space<semaphore_mem>>) src(%arg9 : memref<368x16xf32, #tpu.memory_space<vmem>>) dst(%dma_wait3A_103 : memref<368x16xf32, #tpu.memory_space<vmem_shared>>)
      tpu.yield
    }) : () -> ()
    %mul3A_7 = arith.constant 6256 : i32
    %mul3A_8 = arith.muli %arg1, %mul3A_7 : i32
    %add3A_9 = arith.constant 368 : i32
    %add3A_10 = arith.addi %mul3A_8, %add3A_9 : i32
    "tpu.region"() ({
      %run_scoped3A = tpu.sem_alloc : memref<!tpu.dma_semaphore, #tpu.memory_space<semaphore_mem>>
      %dma_start3A = arith.constant 0 : i32
      %dma_start3A_98 = tpu.memref_slice %arg10[%add3A_10, %dma_start3A] : memref<100096x16xf32, #tpu.memory_space<vmem_shared>> -> memref<368x16xf32, #tpu.memory_space<vmem_shared>>
      %dma_start3A_99 = arith.constant 0 : i32
      %dma_start3A_100 = tpu.memref_slice %arg10[%add3A_10, %dma_start3A_99] : memref<100096x16xf32, #tpu.memory_space<vmem_shared>> -> memref<368x16xf32, #tpu.memory_space<vmem_shared>>
      tpu.enqueue_dma source(%arg9 : memref<368x16xf32, #tpu.memory_space<vmem>>) target(%dma_start3A_100 : memref<368x16xf32, #tpu.memory_space<vmem_shared>>) target_semaphore(%run_scoped3A : memref<!tpu.dma_semaphore, #tpu.memory_space<semaphore_mem>>)
      %dma_wait3A = arith.constant 0 : i32
      %dma_wait3A_101 = tpu.memref_slice %arg10[%add3A_10, %dma_wait3A] : memref<100096x16xf32, #tpu.memory_space<vmem_shared>> -> memref<368x16xf32, #tpu.memory_space<vmem_shared>>
      %dma_wait3A_102 = arith.constant 0 : i32
      %dma_wait3A_103 = tpu.memref_slice %arg10[%add3A_10, %dma_wait3A_102] : memref<100096x16xf32, #tpu.memory_space<vmem_shared>> -> memref<368x16xf32, #tpu.memory_space<vmem_shared>>
      tpu.wait_dma2 semaphore(%run_scoped3A : memref<!tpu.dma_semaphore, #tpu.memory_space<semaphore_mem>>) src(%arg9 : memref<368x16xf32, #tpu.memory_space<vmem>>) dst(%dma_wait3A_103 : memref<368x16xf32, #tpu.memory_space<vmem_shared>>)
      tpu.yield
    }) : () -> ()
    %mul3A_11 = arith.constant 6256 : i32
    %mul3A_12 = arith.muli %arg1, %mul3A_11 : i32
    %add3A_13 = arith.constant 736 : i32
    %add3A_14 = arith.addi %mul3A_12, %add3A_13 : i32
    "tpu.region"() ({
      %run_scoped3A = tpu.sem_alloc : memref<!tpu.dma_semaphore, #tpu.memory_space<semaphore_mem>>
      %dma_start3A = arith.constant 0 : i32
      %dma_start3A_98 = tpu.memref_slice %arg10[%add3A_14, %dma_start3A] : memref<100096x16xf32, #tpu.memory_space<vmem_shared>> -> memref<368x16xf32, #tpu.memory_space<vmem_shared>>
      %dma_start3A_99 = arith.constant 0 : i32
      %dma_start3A_100 = tpu.memref_slice %arg10[%add3A_14, %dma_start3A_99] : memref<100096x16xf32, #tpu.memory_space<vmem_shared>> -> memref<368x16xf32, #tpu.memory_space<vmem_shared>>
      tpu.enqueue_dma source(%arg9 : memref<368x16xf32, #tpu.memory_space<vmem>>) target(%dma_start3A_100 : memref<368x16xf32, #tpu.memory_space<vmem_shared>>) target_semaphore(%run_scoped3A : memref<!tpu.dma_semaphore, #tpu.memory_space<semaphore_mem>>)
      %dma_wait3A = arith.constant 0 : i32
      %dma_wait3A_101 = tpu.memref_slice %arg10[%add3A_14, %dma_wait3A] : memref<100096x16xf32, #tpu.memory_space<vmem_shared>> -> memref<368x16xf32, #tpu.memory_space<vmem_shared>>
      %dma_wait3A_102 = arith.constant 0 : i32
      %dma_wait3A_103 = tpu.memref_slice %arg10[%add3A_14, %dma_wait3A_102] : memref<100096x16xf32, #tpu.memory_space<vmem_shared>> -> memref<368x16xf32, #tpu.memory_space<vmem_shared>>
      tpu.wait_dma2 semaphore(%run_scoped3A : memref<!tpu.dma_semaphore, #tpu.memory_space<semaphore_mem>>) src(%arg9 : memref<368x16xf32, #tpu.memory_space<vmem>>) dst(%dma_wait3A_103 : memref<368x16xf32, #tpu.memory_space<vmem_shared>>)
      tpu.yield
    }) : () -> ()
    %mul3A_15 = arith.constant 6256 : i32
    %mul3A_16 = arith.muli %arg1, %mul3A_15 : i32
    %add3A_17 = arith.constant 1104 : i32
    %add3A_18 = arith.addi %mul3A_16, %add3A_17 : i32
    "tpu.region"() ({
      %run_scoped3A = tpu.sem_alloc : memref<!tpu.dma_semaphore, #tpu.memory_space<semaphore_mem>>
      %dma_start3A = arith.constant 0 : i32
      %dma_start3A_98 = tpu.memref_slice %arg10[%add3A_18, %dma_start3A] : memref<100096x16xf32, #tpu.memory_space<vmem_shared>> -> memref<368x16xf32, #tpu.memory_space<vmem_shared>>
      %dma_start3A_99 = arith.constant 0 : i32
      %dma_start3A_100 = tpu.memref_slice %arg10[%add3A_18, %dma_start3A_99] : memref<100096x16xf32, #tpu.memory_space<vmem_shared>> -> memref<368x16xf32, #tpu.memory_space<vmem_shared>>
      tpu.enqueue_dma source(%arg9 : memref<368x16xf32, #tpu.memory_space<vmem>>) target(%dma_start3A_100 : memref<368x16xf32, #tpu.memory_space<vmem_shared>>) target_semaphore(%run_scoped3A : memref<!tpu.dma_semaphore, #tpu.memory_space<semaphore_mem>>)
      %dma_wait3A = arith.constant 0 : i32
      %dma_wait3A_101 = tpu.memref_slice %arg10[%add3A_18, %dma_wait3A] : memref<100096x16xf32, #tpu.memory_space<vmem_shared>> -> memref<368x16xf32, #tpu.memory_space<vmem_shared>>
      %dma_wait3A_102 = arith.constant 0 : i32
      %dma_wait3A_103 = tpu.memref_slice %arg10[%add3A_18, %dma_wait3A_102] : memref<100096x16xf32, #tpu.memory_space<vmem_shared>> -> memref<368x16xf32, #tpu.memory_space<vmem_shared>>
      tpu.wait_dma2 semaphore(%run_scoped3A : memref<!tpu.dma_semaphore, #tpu.memory_space<semaphore_mem>>) src(%arg9 : memref<368x16xf32, #tpu.memory_space<vmem>>) dst(%dma_wait3A_103 : memref<368x16xf32, #tpu.memory_space<vmem_shared>>)
      tpu.yield
    }) : () -> ()
    %mul3A_19 = arith.constant 6256 : i32
    %mul3A_20 = arith.muli %arg1, %mul3A_19 : i32
    %add3A_21 = arith.constant 1472 : i32
    %add3A_22 = arith.addi %mul3A_20, %add3A_21 : i32
    "tpu.region"() ({
      %run_scoped3A = tpu.sem_alloc : memref<!tpu.dma_semaphore, #tpu.memory_space<semaphore_mem>>
      %dma_start3A = arith.constant 0 : i32
      %dma_start3A_98 = tpu.memref_slice %arg10[%add3A_22, %dma_start3A] : memref<100096x16xf32, #tpu.memory_space<vmem_shared>> -> memref<368x16xf32, #tpu.memory_space<vmem_shared>>
      %dma_start3A_99 = arith.constant 0 : i32
      %dma_start3A_100 = tpu.memref_slice %arg10[%add3A_22, %dma_start3A_99] : memref<100096x16xf32, #tpu.memory_space<vmem_shared>> -> memref<368x16xf32, #tpu.memory_space<vmem_shared>>
      tpu.enqueue_dma source(%arg9 : memref<368x16xf32, #tpu.memory_space<vmem>>) target(%dma_start3A_100 : memref<368x16xf32, #tpu.memory_space<vmem_shared>>) target_semaphore(%run_scoped3A : memref<!tpu.dma_semaphore, #tpu.memory_space<semaphore_mem>>)
      %dma_wait3A = arith.constant 0 : i32
      %dma_wait3A_101 = tpu.memref_slice %arg10[%add3A_22, %dma_wait3A] : memref<100096x16xf32, #tpu.memory_space<vmem_shared>> -> memref<368x16xf32, #tpu.memory_space<vmem_shared>>
      %dma_wait3A_102 = arith.constant 0 : i32
      %dma_wait3A_103 = tpu.memref_slice %arg10[%add3A_22, %dma_wait3A_102] : memref<100096x16xf32, #tpu.memory_space<vmem_shared>> -> memref<368x16xf32, #tpu.memory_space<vmem_shared>>
      tpu.wait_dma2 semaphore(%run_scoped3A : memref<!tpu.dma_semaphore, #tpu.memory_space<semaphore_mem>>) src(%arg9 : memref<368x16xf32, #tpu.memory_space<vmem>>) dst(%dma_wait3A_103 : memref<368x16xf32, #tpu.memory_space<vmem_shared>>)
      tpu.yield
    }) : () -> ()
    %mul3A_23 = arith.constant 6256 : i32
    %mul3A_24 = arith.muli %arg1, %mul3A_23 : i32
    %add3A_25 = arith.constant 1840 : i32
    %add3A_26 = arith.addi %mul3A_24, %add3A_25 : i32
    "tpu.region"() ({
      %run_scoped3A = tpu.sem_alloc : memref<!tpu.dma_semaphore, #tpu.memory_space<semaphore_mem>>
      %dma_start3A = arith.constant 0 : i32
      %dma_start3A_98 = tpu.memref_slice %arg10[%add3A_26, %dma_start3A] : memref<100096x16xf32, #tpu.memory_space<vmem_shared>> -> memref<368x16xf32, #tpu.memory_space<vmem_shared>>
      %dma_start3A_99 = arith.constant 0 : i32
      %dma_start3A_100 = tpu.memref_slice %arg10[%add3A_26, %dma_start3A_99] : memref<100096x16xf32, #tpu.memory_space<vmem_shared>> -> memref<368x16xf32, #tpu.memory_space<vmem_shared>>
      tpu.enqueue_dma source(%arg9 : memref<368x16xf32, #tpu.memory_space<vmem>>) target(%dma_start3A_100 : memref<368x16xf32, #tpu.memory_space<vmem_shared>>) target_semaphore(%run_scoped3A : memref<!tpu.dma_semaphore, #tpu.memory_space<semaphore_mem>>)
      %dma_wait3A = arith.constant 0 : i32
      %dma_wait3A_101 = tpu.memref_slice %arg10[%add3A_26, %dma_wait3A] : memref<100096x16xf32, #tpu.memory_space<vmem_shared>> -> memref<368x16xf32, #tpu.memory_space<vmem_shared>>
      %dma_wait3A_102 = arith.constant 0 : i32
      %dma_wait3A_103 = tpu.memref_slice %arg10[%add3A_26, %dma_wait3A_102] : memref<100096x16xf32, #tpu.memory_space<vmem_shared>> -> memref<368x16xf32, #tpu.memory_space<vmem_shared>>
      tpu.wait_dma2 semaphore(%run_scoped3A : memref<!tpu.dma_semaphore, #tpu.memory_space<semaphore_mem>>) src(%arg9 : memref<368x16xf32, #tpu.memory_space<vmem>>) dst(%dma_wait3A_103 : memref<368x16xf32, #tpu.memory_space<vmem_shared>>)
      tpu.yield
    }) : () -> ()
    %mul3A_27 = arith.constant 6256 : i32
    %mul3A_28 = arith.muli %arg1, %mul3A_27 : i32
    %add3A_29 = arith.constant 2208 : i32
    %add3A_30 = arith.addi %mul3A_28, %add3A_29 : i32
    "tpu.region"() ({
      %run_scoped3A = tpu.sem_alloc : memref<!tpu.dma_semaphore, #tpu.memory_space<semaphore_mem>>
      %dma_start3A = arith.constant 0 : i32
      %dma_start3A_98 = tpu.memref_slice %arg10[%add3A_30, %dma_start3A] : memref<100096x16xf32, #tpu.memory_space<vmem_shared>> -> memref<368x16xf32, #tpu.memory_space<vmem_shared>>
      %dma_start3A_99 = arith.constant 0 : i32
      %dma_start3A_100 = tpu.memref_slice %arg10[%add3A_30, %dma_start3A_99] : memref<100096x16xf32, #tpu.memory_space<vmem_shared>> -> memref<368x16xf32, #tpu.memory_space<vmem_shared>>
      tpu.enqueue_dma source(%arg9 : memref<368x16xf32, #tpu.memory_space<vmem>>) target(%dma_start3A_100 : memref<368x16xf32, #tpu.memory_space<vmem_shared>>) target_semaphore(%run_scoped3A : memref<!tpu.dma_semaphore, #tpu.memory_space<semaphore_mem>>)
      %dma_wait3A = arith.constant 0 : i32
      %dma_wait3A_101 = tpu.memref_slice %arg10[%add3A_30, %dma_wait3A] : memref<100096x16xf32, #tpu.memory_space<vmem_shared>> -> memref<368x16xf32, #tpu.memory_space<vmem_shared>>
      %dma_wait3A_102 = arith.constant 0 : i32
      %dma_wait3A_103 = tpu.memref_slice %arg10[%add3A_30, %dma_wait3A_102] : memref<100096x16xf32, #tpu.memory_space<vmem_shared>> -> memref<368x16xf32, #tpu.memory_space<vmem_shared>>
      tpu.wait_dma2 semaphore(%run_scoped3A : memref<!tpu.dma_semaphore, #tpu.memory_space<semaphore_mem>>) src(%arg9 : memref<368x16xf32, #tpu.memory_space<vmem>>) dst(%dma_wait3A_103 : memref<368x16xf32, #tpu.memory_space<vmem_shared>>)
      tpu.yield
    }) : () -> ()
    %mul3A_31 = arith.constant 6256 : i32
    %mul3A_32 = arith.muli %arg1, %mul3A_31 : i32
    %add3A_33 = arith.constant 2576 : i32
    %add3A_34 = arith.addi %mul3A_32, %add3A_33 : i32
    "tpu.region"() ({
      %run_scoped3A = tpu.sem_alloc : memref<!tpu.dma_semaphore, #tpu.memory_space<semaphore_mem>>
      %dma_start3A = arith.constant 0 : i32
      %dma_start3A_98 = tpu.memref_slice %arg10[%add3A_34, %dma_start3A] : memref<100096x16xf32, #tpu.memory_space<vmem_shared>> -> memref<368x16xf32, #tpu.memory_space<vmem_shared>>
      %dma_start3A_99 = arith.constant 0 : i32
      %dma_start3A_100 = tpu.memref_slice %arg10[%add3A_34, %dma_start3A_99] : memref<100096x16xf32, #tpu.memory_space<vmem_shared>> -> memref<368x16xf32, #tpu.memory_space<vmem_shared>>
      tpu.enqueue_dma source(%arg9 : memref<368x16xf32, #tpu.memory_space<vmem>>) target(%dma_start3A_100 : memref<368x16xf32, #tpu.memory_space<vmem_shared>>) target_semaphore(%run_scoped3A : memref<!tpu.dma_semaphore, #tpu.memory_space<semaphore_mem>>)
      %dma_wait3A = arith.constant 0 : i32
      %dma_wait3A_101 = tpu.memref_slice %arg10[%add3A_34, %dma_wait3A] : memref<100096x16xf32, #tpu.memory_space<vmem_shared>> -> memref<368x16xf32, #tpu.memory_space<vmem_shared>>
      %dma_wait3A_102 = arith.constant 0 : i32
      %dma_wait3A_103 = tpu.memref_slice %arg10[%add3A_34, %dma_wait3A_102] : memref<100096x16xf32, #tpu.memory_space<vmem_shared>> -> memref<368x16xf32, #tpu.memory_space<vmem_shared>>
      tpu.wait_dma2 semaphore(%run_scoped3A : memref<!tpu.dma_semaphore, #tpu.memory_space<semaphore_mem>>) src(%arg9 : memref<368x16xf32, #tpu.memory_space<vmem>>) dst(%dma_wait3A_103 : memref<368x16xf32, #tpu.memory_space<vmem_shared>>)
      tpu.yield
    }) : () -> ()
    %mul3A_35 = arith.constant 6256 : i32
    %mul3A_36 = arith.muli %arg1, %mul3A_35 : i32
    %add3A_37 = arith.constant 2944 : i32
    %add3A_38 = arith.addi %mul3A_36, %add3A_37 : i32
    "tpu.region"() ({
      %run_scoped3A = tpu.sem_alloc : memref<!tpu.dma_semaphore, #tpu.memory_space<semaphore_mem>>
      %dma_start3A = arith.constant 0 : i32
      %dma_start3A_98 = tpu.memref_slice %arg10[%add3A_38, %dma_start3A] : memref<100096x16xf32, #tpu.memory_space<vmem_shared>> -> memref<368x16xf32, #tpu.memory_space<vmem_shared>>
      %dma_start3A_99 = arith.constant 0 : i32
      %dma_start3A_100 = tpu.memref_slice %arg10[%add3A_38, %dma_start3A_99] : memref<100096x16xf32, #tpu.memory_space<vmem_shared>> -> memref<368x16xf32, #tpu.memory_space<vmem_shared>>
      tpu.enqueue_dma source(%arg9 : memref<368x16xf32, #tpu.memory_space<vmem>>) target(%dma_start3A_100 : memref<368x16xf32, #tpu.memory_space<vmem_shared>>) target_semaphore(%run_scoped3A : memref<!tpu.dma_semaphore, #tpu.memory_space<semaphore_mem>>)
      %dma_wait3A = arith.constant 0 : i32
      %dma_wait3A_101 = tpu.memref_slice %arg10[%add3A_38, %dma_wait3A] : memref<100096x16xf32, #tpu.memory_space<vmem_shared>> -> memref<368x16xf32, #tpu.memory_space<vmem_shared>>
      %dma_wait3A_102 = arith.constant 0 : i32
      %dma_wait3A_103 = tpu.memref_slice %arg10[%add3A_38, %dma_wait3A_102] : memref<100096x16xf32, #tpu.memory_space<vmem_shared>> -> memref<368x16xf32, #tpu.memory_space<vmem_shared>>
      tpu.wait_dma2 semaphore(%run_scoped3A : memref<!tpu.dma_semaphore, #tpu.memory_space<semaphore_mem>>) src(%arg9 : memref<368x16xf32, #tpu.memory_space<vmem>>) dst(%dma_wait3A_103 : memref<368x16xf32, #tpu.memory_space<vmem_shared>>)
      tpu.yield
    }) : () -> ()
    %mul3A_39 = arith.constant 6256 : i32
    %mul3A_40 = arith.muli %arg1, %mul3A_39 : i32
    %add3A_41 = arith.constant 3312 : i32
    %add3A_42 = arith.addi %mul3A_40, %add3A_41 : i32
    "tpu.region"() ({
      %run_scoped3A = tpu.sem_alloc : memref<!tpu.dma_semaphore, #tpu.memory_space<semaphore_mem>>
      %dma_start3A = arith.constant 0 : i32
      %dma_start3A_98 = tpu.memref_slice %arg10[%add3A_42, %dma_start3A] : memref<100096x16xf32, #tpu.memory_space<vmem_shared>> -> memref<368x16xf32, #tpu.memory_space<vmem_shared>>
      %dma_start3A_99 = arith.constant 0 : i32
      %dma_start3A_100 = tpu.memref_slice %arg10[%add3A_42, %dma_start3A_99] : memref<100096x16xf32, #tpu.memory_space<vmem_shared>> -> memref<368x16xf32, #tpu.memory_space<vmem_shared>>
      tpu.enqueue_dma source(%arg9 : memref<368x16xf32, #tpu.memory_space<vmem>>) target(%dma_start3A_100 : memref<368x16xf32, #tpu.memory_space<vmem_shared>>) target_semaphore(%run_scoped3A : memref<!tpu.dma_semaphore, #tpu.memory_space<semaphore_mem>>)
      %dma_wait3A = arith.constant 0 : i32
      %dma_wait3A_101 = tpu.memref_slice %arg10[%add3A_42, %dma_wait3A] : memref<100096x16xf32, #tpu.memory_space<vmem_shared>> -> memref<368x16xf32, #tpu.memory_space<vmem_shared>>
      %dma_wait3A_102 = arith.constant 0 : i32
      %dma_wait3A_103 = tpu.memref_slice %arg10[%add3A_42, %dma_wait3A_102] : memref<100096x16xf32, #tpu.memory_space<vmem_shared>> -> memref<368x16xf32, #tpu.memory_space<vmem_shared>>
      tpu.wait_dma2 semaphore(%run_scoped3A : memref<!tpu.dma_semaphore, #tpu.memory_space<semaphore_mem>>) src(%arg9 : memref<368x16xf32, #tpu.memory_space<vmem>>) dst(%dma_wait3A_103 : memref<368x16xf32, #tpu.memory_space<vmem_shared>>)
      tpu.yield
    }) : () -> ()
    %mul3A_43 = arith.constant 6256 : i32
    %mul3A_44 = arith.muli %arg1, %mul3A_43 : i32
    %add3A_45 = arith.constant 3680 : i32
    %add3A_46 = arith.addi %mul3A_44, %add3A_45 : i32
    "tpu.region"() ({
      %run_scoped3A = tpu.sem_alloc : memref<!tpu.dma_semaphore, #tpu.memory_space<semaphore_mem>>
      %dma_start3A = arith.constant 0 : i32
      %dma_start3A_98 = tpu.memref_slice %arg10[%add3A_46, %dma_start3A] : memref<100096x16xf32, #tpu.memory_space<vmem_shared>> -> memref<368x16xf32, #tpu.memory_space<vmem_shared>>
      %dma_start3A_99 = arith.constant 0 : i32
      %dma_start3A_100 = tpu.memref_slice %arg10[%add3A_46, %dma_start3A_99] : memref<100096x16xf32, #tpu.memory_space<vmem_shared>> -> memref<368x16xf32, #tpu.memory_space<vmem_shared>>
      tpu.enqueue_dma source(%arg9 : memref<368x16xf32, #tpu.memory_space<vmem>>) target(%dma_start3A_100 : memref<368x16xf32, #tpu.memory_space<vmem_shared>>) target_semaphore(%run_scoped3A : memref<!tpu.dma_semaphore, #tpu.memory_space<semaphore_mem>>)
      %dma_wait3A = arith.constant 0 : i32
      %dma_wait3A_101 = tpu.memref_slice %arg10[%add3A_46, %dma_wait3A] : memref<100096x16xf32, #tpu.memory_space<vmem_shared>> -> memref<368x16xf32, #tpu.memory_space<vmem_shared>>
      %dma_wait3A_102 = arith.constant 0 : i32
      %dma_wait3A_103 = tpu.memref_slice %arg10[%add3A_46, %dma_wait3A_102] : memref<100096x16xf32, #tpu.memory_space<vmem_shared>> -> memref<368x16xf32, #tpu.memory_space<vmem_shared>>
      tpu.wait_dma2 semaphore(%run_scoped3A : memref<!tpu.dma_semaphore, #tpu.memory_space<semaphore_mem>>) src(%arg9 : memref<368x16xf32, #tpu.memory_space<vmem>>) dst(%dma_wait3A_103 : memref<368x16xf32, #tpu.memory_space<vmem_shared>>)
      tpu.yield
    }) : () -> ()
    %mul3A_47 = arith.constant 6256 : i32
    %mul3A_48 = arith.muli %arg1, %mul3A_47 : i32
    %add3A_49 = arith.constant 4048 : i32
    %add3A_50 = arith.addi %mul3A_48, %add3A_49 : i32
    "tpu.region"() ({
      %run_scoped3A = tpu.sem_alloc : memref<!tpu.dma_semaphore, #tpu.memory_space<semaphore_mem>>
      %dma_start3A = arith.constant 0 : i32
      %dma_start3A_98 = tpu.memref_slice %arg10[%add3A_50, %dma_start3A] : memref<100096x16xf32, #tpu.memory_space<vmem_shared>> -> memref<368x16xf32, #tpu.memory_space<vmem_shared>>
      %dma_start3A_99 = arith.constant 0 : i32
      %dma_start3A_100 = tpu.memref_slice %arg10[%add3A_50, %dma_start3A_99] : memref<100096x16xf32, #tpu.memory_space<vmem_shared>> -> memref<368x16xf32, #tpu.memory_space<vmem_shared>>
      tpu.enqueue_dma source(%arg9 : memref<368x16xf32, #tpu.memory_space<vmem>>) target(%dma_start3A_100 : memref<368x16xf32, #tpu.memory_space<vmem_shared>>) target_semaphore(%run_scoped3A : memref<!tpu.dma_semaphore, #tpu.memory_space<semaphore_mem>>)
      %dma_wait3A = arith.constant 0 : i32
      %dma_wait3A_101 = tpu.memref_slice %arg10[%add3A_50, %dma_wait3A] : memref<100096x16xf32, #tpu.memory_space<vmem_shared>> -> memref<368x16xf32, #tpu.memory_space<vmem_shared>>
      %dma_wait3A_102 = arith.constant 0 : i32
      %dma_wait3A_103 = tpu.memref_slice %arg10[%add3A_50, %dma_wait3A_102] : memref<100096x16xf32, #tpu.memory_space<vmem_shared>> -> memref<368x16xf32, #tpu.memory_space<vmem_shared>>
      tpu.wait_dma2 semaphore(%run_scoped3A : memref<!tpu.dma_semaphore, #tpu.memory_space<semaphore_mem>>) src(%arg9 : memref<368x16xf32, #tpu.memory_space<vmem>>) dst(%dma_wait3A_103 : memref<368x16xf32, #tpu.memory_space<vmem_shared>>)
      tpu.yield
    }) : () -> ()
    %mul3A_51 = arith.constant 6256 : i32
    %mul3A_52 = arith.muli %arg1, %mul3A_51 : i32
    %add3A_53 = arith.constant 4416 : i32
    %add3A_54 = arith.addi %mul3A_52, %add3A_53 : i32
    "tpu.region"() ({
      %run_scoped3A = tpu.sem_alloc : memref<!tpu.dma_semaphore, #tpu.memory_space<semaphore_mem>>
      %dma_start3A = arith.constant 0 : i32
      %dma_start3A_98 = tpu.memref_slice %arg10[%add3A_54, %dma_start3A] : memref<100096x16xf32, #tpu.memory_space<vmem_shared>> -> memref<368x16xf32, #tpu.memory_space<vmem_shared>>
      %dma_start3A_99 = arith.constant 0 : i32
      %dma_start3A_100 = tpu.memref_slice %arg10[%add3A_54, %dma_start3A_99] : memref<100096x16xf32, #tpu.memory_space<vmem_shared>> -> memref<368x16xf32, #tpu.memory_space<vmem_shared>>
      tpu.enqueue_dma source(%arg9 : memref<368x16xf32, #tpu.memory_space<vmem>>) target(%dma_start3A_100 : memref<368x16xf32, #tpu.memory_space<vmem_shared>>) target_semaphore(%run_scoped3A : memref<!tpu.dma_semaphore, #tpu.memory_space<semaphore_mem>>)
      %dma_wait3A = arith.constant 0 : i32
      %dma_wait3A_101 = tpu.memref_slice %arg10[%add3A_54, %dma_wait3A] : memref<100096x16xf32, #tpu.memory_space<vmem_shared>> -> memref<368x16xf32, #tpu.memory_space<vmem_shared>>
      %dma_wait3A_102 = arith.constant 0 : i32
      %dma_wait3A_103 = tpu.memref_slice %arg10[%add3A_54, %dma_wait3A_102] : memref<100096x16xf32, #tpu.memory_space<vmem_shared>> -> memref<368x16xf32, #tpu.memory_space<vmem_shared>>
      tpu.wait_dma2 semaphore(%run_scoped3A : memref<!tpu.dma_semaphore, #tpu.memory_space<semaphore_mem>>) src(%arg9 : memref<368x16xf32, #tpu.memory_space<vmem>>) dst(%dma_wait3A_103 : memref<368x16xf32, #tpu.memory_space<vmem_shared>>)
      tpu.yield
    }) : () -> ()
    %mul3A_55 = arith.constant 6256 : i32
    %mul3A_56 = arith.muli %arg1, %mul3A_55 : i32
    %add3A_57 = arith.constant 4784 : i32
    %add3A_58 = arith.addi %mul3A_56, %add3A_57 : i32
    "tpu.region"() ({
      %run_scoped3A = tpu.sem_alloc : memref<!tpu.dma_semaphore, #tpu.memory_space<semaphore_mem>>
      %dma_start3A = arith.constant 0 : i32
      %dma_start3A_98 = tpu.memref_slice %arg10[%add3A_58, %dma_start3A] : memref<100096x16xf32, #tpu.memory_space<vmem_shared>> -> memref<368x16xf32, #tpu.memory_space<vmem_shared>>
      %dma_start3A_99 = arith.constant 0 : i32
      %dma_start3A_100 = tpu.memref_slice %arg10[%add3A_58, %dma_start3A_99] : memref<100096x16xf32, #tpu.memory_space<vmem_shared>> -> memref<368x16xf32, #tpu.memory_space<vmem_shared>>
      tpu.enqueue_dma source(%arg9 : memref<368x16xf32, #tpu.memory_space<vmem>>) target(%dma_start3A_100 : memref<368x16xf32, #tpu.memory_space<vmem_shared>>) target_semaphore(%run_scoped3A : memref<!tpu.dma_semaphore, #tpu.memory_space<semaphore_mem>>)
      %dma_wait3A = arith.constant 0 : i32
      %dma_wait3A_101 = tpu.memref_slice %arg10[%add3A_58, %dma_wait3A] : memref<100096x16xf32, #tpu.memory_space<vmem_shared>> -> memref<368x16xf32, #tpu.memory_space<vmem_shared>>
      %dma_wait3A_102 = arith.constant 0 : i32
      %dma_wait3A_103 = tpu.memref_slice %arg10[%add3A_58, %dma_wait3A_102] : memref<100096x16xf32, #tpu.memory_space<vmem_shared>> -> memref<368x16xf32, #tpu.memory_space<vmem_shared>>
      tpu.wait_dma2 semaphore(%run_scoped3A : memref<!tpu.dma_semaphore, #tpu.memory_space<semaphore_mem>>) src(%arg9 : memref<368x16xf32, #tpu.memory_space<vmem>>) dst(%dma_wait3A_103 : memref<368x16xf32, #tpu.memory_space<vmem_shared>>)
      tpu.yield
    }) : () -> ()
    %mul3A_59 = arith.constant 6256 : i32
    %mul3A_60 = arith.muli %arg1, %mul3A_59 : i32
    %add3A_61 = arith.constant 5152 : i32
    %add3A_62 = arith.addi %mul3A_60, %add3A_61 : i32
    "tpu.region"() ({
      %run_scoped3A = tpu.sem_alloc : memref<!tpu.dma_semaphore, #tpu.memory_space<semaphore_mem>>
      %dma_start3A = arith.constant 0 : i32
      %dma_start3A_98 = tpu.memref_slice %arg10[%add3A_62, %dma_start3A] : memref<100096x16xf32, #tpu.memory_space<vmem_shared>> -> memref<368x16xf32, #tpu.memory_space<vmem_shared>>
      %dma_start3A_99 = arith.constant 0 : i32
      %dma_start3A_100 = tpu.memref_slice %arg10[%add3A_62, %dma_start3A_99] : memref<100096x16xf32, #tpu.memory_space<vmem_shared>> -> memref<368x16xf32, #tpu.memory_space<vmem_shared>>
      tpu.enqueue_dma source(%arg9 : memref<368x16xf32, #tpu.memory_space<vmem>>) target(%dma_start3A_100 : memref<368x16xf32, #tpu.memory_space<vmem_shared>>) target_semaphore(%run_scoped3A : memref<!tpu.dma_semaphore, #tpu.memory_space<semaphore_mem>>)
      %dma_wait3A = arith.constant 0 : i32
      %dma_wait3A_101 = tpu.memref_slice %arg10[%add3A_62, %dma_wait3A] : memref<100096x16xf32, #tpu.memory_space<vmem_shared>> -> memref<368x16xf32, #tpu.memory_space<vmem_shared>>
      %dma_wait3A_102 = arith.constant 0 : i32
      %dma_wait3A_103 = tpu.memref_slice %arg10[%add3A_62, %dma_wait3A_102] : memref<100096x16xf32, #tpu.memory_space<vmem_shared>> -> memref<368x16xf32, #tpu.memory_space<vmem_shared>>
      tpu.wait_dma2 semaphore(%run_scoped3A : memref<!tpu.dma_semaphore, #tpu.memory_space<semaphore_mem>>) src(%arg9 : memref<368x16xf32, #tpu.memory_space<vmem>>) dst(%dma_wait3A_103 : memref<368x16xf32, #tpu.memory_space<vmem_shared>>)
      tpu.yield
    }) : () -> ()
    %mul3A_63 = arith.constant 6256 : i32
    %mul3A_64 = arith.muli %arg1, %mul3A_63 : i32
    %add3A_65 = arith.constant 5520 : i32
    %add3A_66 = arith.addi %mul3A_64, %add3A_65 : i32
    "tpu.region"() ({
      %run_scoped3A = tpu.sem_alloc : memref<!tpu.dma_semaphore, #tpu.memory_space<semaphore_mem>>
      %dma_start3A = arith.constant 0 : i32
      %dma_start3A_98 = tpu.memref_slice %arg10[%add3A_66, %dma_start3A] : memref<100096x16xf32, #tpu.memory_space<vmem_shared>> -> memref<368x16xf32, #tpu.memory_space<vmem_shared>>
      %dma_start3A_99 = arith.constant 0 : i32
      %dma_start3A_100 = tpu.memref_slice %arg10[%add3A_66, %dma_start3A_99] : memref<100096x16xf32, #tpu.memory_space<vmem_shared>> -> memref<368x16xf32, #tpu.memory_space<vmem_shared>>
      tpu.enqueue_dma source(%arg9 : memref<368x16xf32, #tpu.memory_space<vmem>>) target(%dma_start3A_100 : memref<368x16xf32, #tpu.memory_space<vmem_shared>>) target_semaphore(%run_scoped3A : memref<!tpu.dma_semaphore, #tpu.memory_space<semaphore_mem>>)
      %dma_wait3A = arith.constant 0 : i32
      %dma_wait3A_101 = tpu.memref_slice %arg10[%add3A_66, %dma_wait3A] : memref<100096x16xf32, #tpu.memory_space<vmem_shared>> -> memref<368x16xf32, #tpu.memory_space<vmem_shared>>
      %dma_wait3A_102 = arith.constant 0 : i32
      %dma_wait3A_103 = tpu.memref_slice %arg10[%add3A_66, %dma_wait3A_102] : memref<100096x16xf32, #tpu.memory_space<vmem_shared>> -> memref<368x16xf32, #tpu.memory_space<vmem_shared>>
      tpu.wait_dma2 semaphore(%run_scoped3A : memref<!tpu.dma_semaphore, #tpu.memory_space<semaphore_mem>>) src(%arg9 : memref<368x16xf32, #tpu.memory_space<vmem>>) dst(%dma_wait3A_103 : memref<368x16xf32, #tpu.memory_space<vmem_shared>>)
      tpu.yield
    }) : () -> ()
    %mul3A_67 = arith.constant 6256 : i32
    %mul3A_68 = arith.muli %arg1, %mul3A_67 : i32
    %add3A_69 = arith.constant 5888 : i32
    %add3A_70 = arith.addi %mul3A_68, %add3A_69 : i32
    "tpu.region"() ({
      %run_scoped3A = tpu.sem_alloc : memref<!tpu.dma_semaphore, #tpu.memory_space<semaphore_mem>>
      %dma_start3A = arith.constant 0 : i32
      %dma_start3A_98 = tpu.memref_slice %arg10[%add3A_70, %dma_start3A] : memref<100096x16xf32, #tpu.memory_space<vmem_shared>> -> memref<368x16xf32, #tpu.memory_space<vmem_shared>>
      %dma_start3A_99 = arith.constant 0 : i32
      %dma_start3A_100 = tpu.memref_slice %arg10[%add3A_70, %dma_start3A_99] : memref<100096x16xf32, #tpu.memory_space<vmem_shared>> -> memref<368x16xf32, #tpu.memory_space<vmem_shared>>
      tpu.enqueue_dma source(%arg9 : memref<368x16xf32, #tpu.memory_space<vmem>>) target(%dma_start3A_100 : memref<368x16xf32, #tpu.memory_space<vmem_shared>>) target_semaphore(%run_scoped3A : memref<!tpu.dma_semaphore, #tpu.memory_space<semaphore_mem>>)
      %dma_wait3A = arith.constant 0 : i32
      %dma_wait3A_101 = tpu.memref_slice %arg10[%add3A_70, %dma_wait3A] : memref<100096x16xf32, #tpu.memory_space<vmem_shared>> -> memref<368x16xf32, #tpu.memory_space<vmem_shared>>
      %dma_wait3A_102 = arith.constant 0 : i32
      %dma_wait3A_103 = tpu.memref_slice %arg10[%add3A_70, %dma_wait3A_102] : memref<100096x16xf32, #tpu.memory_space<vmem_shared>> -> memref<368x16xf32, #tpu.memory_space<vmem_shared>>
      tpu.wait_dma2 semaphore(%run_scoped3A : memref<!tpu.dma_semaphore, #tpu.memory_space<semaphore_mem>>) src(%arg9 : memref<368x16xf32, #tpu.memory_space<vmem>>) dst(%dma_wait3A_103 : memref<368x16xf32, #tpu.memory_space<vmem_shared>>)
      tpu.yield
    }) : () -> ()
    %barrier3A = arith.constant 0 : index
    tpu.barrier barrier_id(%barrier3A)
    %lt3A = arith.constant 5 : i32
    %lt3A_71 = arith.cmpi slt, %arg1, %lt3A : i32
    %jit3A = arith.constant 1 : i32
    %jit3A_72 = arith.constant 0 : i32
    %select_n3A = arith.select %lt3A_71, %jit3A, %jit3A_72 : i32
    %add3A_73 = arith.constant 195 : i32
    %add3A_74 = arith.addi %add3A_73, %select_n3A : i32
    %gt3A = arith.constant 0 : i32
    %gt3A_75 = arith.cmpi sgt, %add3A_74, %gt3A : i32
    %convert_element_type3A = arith.extui %gt3A_75 : i1 to i32
    %cond3A = arith.constant 0 : i32
    %cond3A_76 = arith.cmpi ne, %convert_element_type3A, %cond3A : i32
    scf.if %cond3A_76 {
      %add3A_98 = arith.constant 0 : i32
      %add3A_99 = arith.addi %arg1, %add3A_98 : i32
      %dma_start3A = arith.constant 0 : i32
      %dma_start3A_100 = arith.constant 0 : i32
      %dma_start3A_101 = arith.constant 0 : i32
      %dma_start3A_102 = arith.constant 0 : i32
      %dma_start3A_103 = tpu.memref_slice %arg8[%dma_start3A, %dma_start3A_101, %dma_start3A_102] : memref<2x4x128xi32, #tpu.memory_space<vmem>> -> memref<1x4x128xi32, #tpu.memory_space<vmem>>
      %dma_start3A_104 = tpu.memref_squeeze %dma_start3A_103 : memref<1x4x128xi32, #tpu.memory_space<vmem>> -> memref<4x128xi32, #tpu.memory_space<vmem>>
      %dma_start3A_105 = arith.constant 0 : i32
      %dma_start3A_106 = arith.constant 0 : i32
      %dma_start3A_107 = tpu.memref_slice %arg4[%add3A_99, %dma_start3A_105, %dma_start3A_106] : memref<3125x4x128xi32, #tpu.memory_space<hbm>> -> memref<1x4x128xi32, #tpu.memory_space<hbm>>
      %dma_start3A_108 = tpu.memref_squeeze %dma_start3A_107 : memref<1x4x128xi32, #tpu.memory_space<hbm>> -> memref<4x128xi32, #tpu.memory_space<hbm>>
      %dma_start3A_109 = tpu.memref_slice %arg11[%dma_start3A_100] : memref<2x!tpu.dma_semaphore, #tpu.memory_space<semaphore_mem>> -> memref<1x!tpu.dma_semaphore, #tpu.memory_space<semaphore_mem>>
      %dma_start3A_110 = tpu.memref_squeeze %dma_start3A_109 : memref<1x!tpu.dma_semaphore, #tpu.memory_space<semaphore_mem>> -> memref<!tpu.dma_semaphore, #tpu.memory_space<semaphore_mem>>
      %dma_start3A_111 = arith.constant 0 : i32
      %dma_start3A_112 = arith.constant 0 : i32
      %dma_start3A_113 = tpu.memref_slice %arg8[%dma_start3A, %dma_start3A_111, %dma_start3A_112] : memref<2x4x128xi32, #tpu.memory_space<vmem>> -> memref<1x4x128xi32, #tpu.memory_space<vmem>>
      %dma_start3A_114 = tpu.memref_squeeze %dma_start3A_113 : memref<1x4x128xi32, #tpu.memory_space<vmem>> -> memref<4x128xi32, #tpu.memory_space<vmem>>
      %dma_start3A_115 = arith.constant 0 : i32
      %dma_start3A_116 = arith.constant 0 : i32
      %dma_start3A_117 = tpu.memref_slice %arg4[%add3A_99, %dma_start3A_115, %dma_start3A_116] : memref<3125x4x128xi32, #tpu.memory_space<hbm>> -> memref<1x4x128xi32, #tpu.memory_space<hbm>>
      %dma_start3A_118 = tpu.memref_squeeze %dma_start3A_117 : memref<1x4x128xi32, #tpu.memory_space<hbm>> -> memref<4x128xi32, #tpu.memory_space<hbm>>
      tpu.enqueue_dma source(%dma_start3A_118 : memref<4x128xi32, #tpu.memory_space<hbm>>) target(%dma_start3A_114 : memref<4x128xi32, #tpu.memory_space<vmem>>) target_semaphore(%dma_start3A_110 : memref<!tpu.dma_semaphore, #tpu.memory_space<semaphore_mem>>)
      %eq3A_119 = arith.constant 0 : i32
      %eq3A_120 = arith.cmpi eq, %arg0, %eq3A_119 : i32
      %convert_element_type3A_121 = arith.extui %eq3A_120 : i1 to i32
      %cond3A_122 = arith.constant 0 : i32
      %cond3A_123 = arith.cmpi ne, %convert_element_type3A_121, %cond3A_122 : i32
      scf.if %cond3A_123 {
        %mul3A_129 = arith.constant 512 : i32
        %mul3A_130 = arith.muli %add3A_99, %mul3A_129 : i32
        %dma_start3A_131 = arith.constant 0 : i32
        %dma_start3A_132 = arith.constant 0 : i32
        %dma_start3A_133 = arith.constant 0 : i32
        %dma_start3A_134 = arith.constant 0 : i32
        %dma_start3A_135 = tpu.memref_slice %arg7[%dma_start3A_131, %dma_start3A_133, %dma_start3A_134] : memref<2x512x16xf32, #tpu.memory_space<vmem>> -> memref<1x512x16xf32, #tpu.memory_space<vmem>>
        %dma_start3A_136 = tpu.memref_squeeze %dma_start3A_135 : memref<1x512x16xf32, #tpu.memory_space<vmem>> -> memref<512x16xf32, #tpu.memory_space<vmem>>
        %dma_start3A_137 = arith.constant 0 : i32
        %dma_start3A_138 = tpu.memref_slice %arg2[%mul3A_130, %dma_start3A_137] : memref<1600000x16xf32, #tpu.memory_space<hbm>> -> memref<512x16xf32, #tpu.memory_space<hbm>>
        %dma_start3A_139 = tpu.memref_slice %arg12[%dma_start3A_132] : memref<2x!tpu.dma_semaphore, #tpu.memory_space<semaphore_mem>> -> memref<1x!tpu.dma_semaphore, #tpu.memory_space<semaphore_mem>>
        %dma_start3A_140 = tpu.memref_squeeze %dma_start3A_139 : memref<1x!tpu.dma_semaphore, #tpu.memory_space<semaphore_mem>> -> memref<!tpu.dma_semaphore, #tpu.memory_space<semaphore_mem>>
        %dma_start3A_141 = arith.constant 0 : i32
        %dma_start3A_142 = arith.constant 0 : i32
        %dma_start3A_143 = tpu.memref_slice %arg7[%dma_start3A_131, %dma_start3A_141, %dma_start3A_142] : memref<2x512x16xf32, #tpu.memory_space<vmem>> -> memref<1x512x16xf32, #tpu.memory_space<vmem>>
        %dma_start3A_144 = tpu.memref_squeeze %dma_start3A_143 : memref<1x512x16xf32, #tpu.memory_space<vmem>> -> memref<512x16xf32, #tpu.memory_space<vmem>>
        %dma_start3A_145 = arith.constant 0 : i32
        %dma_start3A_146 = tpu.memref_slice %arg2[%mul3A_130, %dma_start3A_145] : memref<1600000x16xf32, #tpu.memory_space<hbm>> -> memref<512x16xf32, #tpu.memory_space<hbm>>
        tpu.enqueue_dma source(%dma_start3A_146 : memref<512x16xf32, #tpu.memory_space<hbm>>) target(%dma_start3A_144 : memref<512x16xf32, #tpu.memory_space<vmem>>) target_semaphore(%dma_start3A_140 : memref<!tpu.dma_semaphore, #tpu.memory_space<semaphore_mem>>)
      } else {
      }
      %eq3A_124 = arith.constant 1 : i32
      %eq3A_125 = arith.cmpi eq, %arg0, %eq3A_124 : i32
      %convert_element_type3A_126 = arith.extui %eq3A_125 : i1 to i32
      %cond3A_127 = arith.constant 0 : i32
      %cond3A_128 = arith.cmpi ne, %convert_element_type3A_126, %cond3A_127 : i32
      scf.if %cond3A_128 {
        %mul3A_129 = arith.constant 512 : i32
        %mul3A_130 = arith.muli %add3A_99, %mul3A_129 : i32
        %dma_start3A_131 = arith.constant 0 : i32
        %dma_start3A_132 = arith.constant 0 : i32
        %dma_start3A_133 = arith.constant 0 : i32
        %dma_start3A_134 = arith.constant 0 : i32
        %dma_start3A_135 = tpu.memref_slice %arg7[%dma_start3A_131, %dma_start3A_133, %dma_start3A_134] : memref<2x512x16xf32, #tpu.memory_space<vmem>> -> memref<1x512x16xf32, #tpu.memory_space<vmem>>
        %dma_start3A_136 = tpu.memref_squeeze %dma_start3A_135 : memref<1x512x16xf32, #tpu.memory_space<vmem>> -> memref<512x16xf32, #tpu.memory_space<vmem>>
        %dma_start3A_137 = arith.constant 0 : i32
        %dma_start3A_138 = tpu.memref_slice %arg3[%mul3A_130, %dma_start3A_137] : memref<1600000x16xf32, #tpu.memory_space<hbm>> -> memref<512x16xf32, #tpu.memory_space<hbm>>
        %dma_start3A_139 = tpu.memref_slice %arg12[%dma_start3A_132] : memref<2x!tpu.dma_semaphore, #tpu.memory_space<semaphore_mem>> -> memref<1x!tpu.dma_semaphore, #tpu.memory_space<semaphore_mem>>
        %dma_start3A_140 = tpu.memref_squeeze %dma_start3A_139 : memref<1x!tpu.dma_semaphore, #tpu.memory_space<semaphore_mem>> -> memref<!tpu.dma_semaphore, #tpu.memory_space<semaphore_mem>>
        %dma_start3A_141 = arith.constant 0 : i32
        %dma_start3A_142 = arith.constant 0 : i32
        %dma_start3A_143 = tpu.memref_slice %arg7[%dma_start3A_131, %dma_start3A_141, %dma_start3A_142] : memref<2x512x16xf32, #tpu.memory_space<vmem>> -> memref<1x512x16xf32, #tpu.memory_space<vmem>>
        %dma_start3A_144 = tpu.memref_squeeze %dma_start3A_143 : memref<1x512x16xf32, #tpu.memory_space<vmem>> -> memref<512x16xf32, #tpu.memory_space<vmem>>
        %dma_start3A_145 = arith.constant 0 : i32
        %dma_start3A_146 = tpu.memref_slice %arg3[%mul3A_130, %dma_start3A_145] : memref<1600000x16xf32, #tpu.memory_space<hbm>> -> memref<512x16xf32, #tpu.memory_space<hbm>>
        tpu.enqueue_dma source(%dma_start3A_146 : memref<512x16xf32, #tpu.memory_space<hbm>>) target(%dma_start3A_144 : memref<512x16xf32, #tpu.memory_space<vmem>>) target_semaphore(%dma_start3A_140 : memref<!tpu.dma_semaphore, #tpu.memory_space<semaphore_mem>>)
      } else {
      }
    } else {
    }
    %gt3A_77 = arith.constant 1 : i32
    %gt3A_78 = arith.cmpi sgt, %add3A_74, %gt3A_77 : i32
    %convert_element_type3A_79 = arith.extui %gt3A_78 : i1 to i32
    %cond3A_80 = arith.constant 0 : i32
    %cond3A_81 = arith.cmpi ne, %convert_element_type3A_79, %cond3A_80 : i32
    scf.if %cond3A_81 {
      %add3A_98 = arith.constant 16 : i32
      %add3A_99 = arith.addi %arg1, %add3A_98 : i32
      %dma_start3A = arith.constant 1 : i32
      %dma_start3A_100 = arith.constant 1 : i32
      %dma_start3A_101 = arith.constant 0 : i32
      %dma_start3A_102 = arith.constant 0 : i32
      %dma_start3A_103 = tpu.memref_slice %arg8[%dma_start3A, %dma_start3A_101, %dma_start3A_102] : memref<2x4x128xi32, #tpu.memory_space<vmem>> -> memref<1x4x128xi32, #tpu.memory_space<vmem>>
      %dma_start3A_104 = tpu.memref_squeeze %dma_start3A_103 : memref<1x4x128xi32, #tpu.memory_space<vmem>> -> memref<4x128xi32, #tpu.memory_space<vmem>>
      %dma_start3A_105 = arith.constant 0 : i32
      %dma_start3A_106 = arith.constant 0 : i32
      %dma_start3A_107 = tpu.memref_slice %arg4[%add3A_99, %dma_start3A_105, %dma_start3A_106] : memref<3125x4x128xi32, #tpu.memory_space<hbm>> -> memref<1x4x128xi32, #tpu.memory_space<hbm>>
      %dma_start3A_108 = tpu.memref_squeeze %dma_start3A_107 : memref<1x4x128xi32, #tpu.memory_space<hbm>> -> memref<4x128xi32, #tpu.memory_space<hbm>>
      %dma_start3A_109 = tpu.memref_slice %arg11[%dma_start3A_100] : memref<2x!tpu.dma_semaphore, #tpu.memory_space<semaphore_mem>> -> memref<1x!tpu.dma_semaphore, #tpu.memory_space<semaphore_mem>>
      %dma_start3A_110 = tpu.memref_squeeze %dma_start3A_109 : memref<1x!tpu.dma_semaphore, #tpu.memory_space<semaphore_mem>> -> memref<!tpu.dma_semaphore, #tpu.memory_space<semaphore_mem>>
      %dma_start3A_111 = arith.constant 0 : i32
      %dma_start3A_112 = arith.constant 0 : i32
      %dma_start3A_113 = tpu.memref_slice %arg8[%dma_start3A, %dma_start3A_111, %dma_start3A_112] : memref<2x4x128xi32, #tpu.memory_space<vmem>> -> memref<1x4x128xi32, #tpu.memory_space<vmem>>
      %dma_start3A_114 = tpu.memref_squeeze %dma_start3A_113 : memref<1x4x128xi32, #tpu.memory_space<vmem>> -> memref<4x128xi32, #tpu.memory_space<vmem>>
      %dma_start3A_115 = arith.constant 0 : i32
      %dma_start3A_116 = arith.constant 0 : i32
      %dma_start3A_117 = tpu.memref_slice %arg4[%add3A_99, %dma_start3A_115, %dma_start3A_116] : memref<3125x4x128xi32, #tpu.memory_space<hbm>> -> memref<1x4x128xi32, #tpu.memory_space<hbm>>
      %dma_start3A_118 = tpu.memref_squeeze %dma_start3A_117 : memref<1x4x128xi32, #tpu.memory_space<hbm>> -> memref<4x128xi32, #tpu.memory_space<hbm>>
      tpu.enqueue_dma source(%dma_start3A_118 : memref<4x128xi32, #tpu.memory_space<hbm>>) target(%dma_start3A_114 : memref<4x128xi32, #tpu.memory_space<vmem>>) target_semaphore(%dma_start3A_110 : memref<!tpu.dma_semaphore, #tpu.memory_space<semaphore_mem>>)
      %eq3A_119 = arith.constant 0 : i32
      %eq3A_120 = arith.cmpi eq, %arg0, %eq3A_119 : i32
      %convert_element_type3A_121 = arith.extui %eq3A_120 : i1 to i32
      %cond3A_122 = arith.constant 0 : i32
      %cond3A_123 = arith.cmpi ne, %convert_element_type3A_121, %cond3A_122 : i32
      scf.if %cond3A_123 {
        %mul3A_129 = arith.constant 512 : i32
        %mul3A_130 = arith.muli %add3A_99, %mul3A_129 : i32
        %dma_start3A_131 = arith.constant 1 : i32
        %dma_start3A_132 = arith.constant 1 : i32
        %dma_start3A_133 = arith.constant 0 : i32
        %dma_start3A_134 = arith.constant 0 : i32
        %dma_start3A_135 = tpu.memref_slice %arg7[%dma_start3A_131, %dma_start3A_133, %dma_start3A_134] : memref<2x512x16xf32, #tpu.memory_space<vmem>> -> memref<1x512x16xf32, #tpu.memory_space<vmem>>
        %dma_start3A_136 = tpu.memref_squeeze %dma_start3A_135 : memref<1x512x16xf32, #tpu.memory_space<vmem>> -> memref<512x16xf32, #tpu.memory_space<vmem>>
        %dma_start3A_137 = arith.constant 0 : i32
        %dma_start3A_138 = tpu.memref_slice %arg2[%mul3A_130, %dma_start3A_137] : memref<1600000x16xf32, #tpu.memory_space<hbm>> -> memref<512x16xf32, #tpu.memory_space<hbm>>
        %dma_start3A_139 = tpu.memref_slice %arg12[%dma_start3A_132] : memref<2x!tpu.dma_semaphore, #tpu.memory_space<semaphore_mem>> -> memref<1x!tpu.dma_semaphore, #tpu.memory_space<semaphore_mem>>
        %dma_start3A_140 = tpu.memref_squeeze %dma_start3A_139 : memref<1x!tpu.dma_semaphore, #tpu.memory_space<semaphore_mem>> -> memref<!tpu.dma_semaphore, #tpu.memory_space<semaphore_mem>>
        %dma_start3A_141 = arith.constant 0 : i32
        %dma_start3A_142 = arith.constant 0 : i32
        %dma_start3A_143 = tpu.memref_slice %arg7[%dma_start3A_131, %dma_start3A_141, %dma_start3A_142] : memref<2x512x16xf32, #tpu.memory_space<vmem>> -> memref<1x512x16xf32, #tpu.memory_space<vmem>>
        %dma_start3A_144 = tpu.memref_squeeze %dma_start3A_143 : memref<1x512x16xf32, #tpu.memory_space<vmem>> -> memref<512x16xf32, #tpu.memory_space<vmem>>
        %dma_start3A_145 = arith.constant 0 : i32
        %dma_start3A_146 = tpu.memref_slice %arg2[%mul3A_130, %dma_start3A_145] : memref<1600000x16xf32, #tpu.memory_space<hbm>> -> memref<512x16xf32, #tpu.memory_space<hbm>>
        tpu.enqueue_dma source(%dma_start3A_146 : memref<512x16xf32, #tpu.memory_space<hbm>>) target(%dma_start3A_144 : memref<512x16xf32, #tpu.memory_space<vmem>>) target_semaphore(%dma_start3A_140 : memref<!tpu.dma_semaphore, #tpu.memory_space<semaphore_mem>>)
      } else {
      }
      %eq3A_124 = arith.constant 1 : i32
      %eq3A_125 = arith.cmpi eq, %arg0, %eq3A_124 : i32
      %convert_element_type3A_126 = arith.extui %eq3A_125 : i1 to i32
      %cond3A_127 = arith.constant 0 : i32
      %cond3A_128 = arith.cmpi ne, %convert_element_type3A_126, %cond3A_127 : i32
      scf.if %cond3A_128 {
        %mul3A_129 = arith.constant 512 : i32
        %mul3A_130 = arith.muli %add3A_99, %mul3A_129 : i32
        %dma_start3A_131 = arith.constant 1 : i32
        %dma_start3A_132 = arith.constant 1 : i32
        %dma_start3A_133 = arith.constant 0 : i32
        %dma_start3A_134 = arith.constant 0 : i32
        %dma_start3A_135 = tpu.memref_slice %arg7[%dma_start3A_131, %dma_start3A_133, %dma_start3A_134] : memref<2x512x16xf32, #tpu.memory_space<vmem>> -> memref<1x512x16xf32, #tpu.memory_space<vmem>>
        %dma_start3A_136 = tpu.memref_squeeze %dma_start3A_135 : memref<1x512x16xf32, #tpu.memory_space<vmem>> -> memref<512x16xf32, #tpu.memory_space<vmem>>
        %dma_start3A_137 = arith.constant 0 : i32
        %dma_start3A_138 = tpu.memref_slice %arg3[%mul3A_130, %dma_start3A_137] : memref<1600000x16xf32, #tpu.memory_space<hbm>> -> memref<512x16xf32, #tpu.memory_space<hbm>>
        %dma_start3A_139 = tpu.memref_slice %arg12[%dma_start3A_132] : memref<2x!tpu.dma_semaphore, #tpu.memory_space<semaphore_mem>> -> memref<1x!tpu.dma_semaphore, #tpu.memory_space<semaphore_mem>>
        %dma_start3A_140 = tpu.memref_squeeze %dma_start3A_139 : memref<1x!tpu.dma_semaphore, #tpu.memory_space<semaphore_mem>> -> memref<!tpu.dma_semaphore, #tpu.memory_space<semaphore_mem>>
        %dma_start3A_141 = arith.constant 0 : i32
        %dma_start3A_142 = arith.constant 0 : i32
        %dma_start3A_143 = tpu.memref_slice %arg7[%dma_start3A_131, %dma_start3A_141, %dma_start3A_142] : memref<2x512x16xf32, #tpu.memory_space<vmem>> -> memref<1x512x16xf32, #tpu.memory_space<vmem>>
        %dma_start3A_144 = tpu.memref_squeeze %dma_start3A_143 : memref<1x512x16xf32, #tpu.memory_space<vmem>> -> memref<512x16xf32, #tpu.memory_space<vmem>>
        %dma_start3A_145 = arith.constant 0 : i32
        %dma_start3A_146 = tpu.memref_slice %arg3[%mul3A_130, %dma_start3A_145] : memref<1600000x16xf32, #tpu.memory_space<hbm>> -> memref<512x16xf32, #tpu.memory_space<hbm>>
        tpu.enqueue_dma source(%dma_start3A_146 : memref<512x16xf32, #tpu.memory_space<hbm>>) target(%dma_start3A_144 : memref<512x16xf32, #tpu.memory_space<vmem>>) target_semaphore(%dma_start3A_140 : memref<!tpu.dma_semaphore, #tpu.memory_space<semaphore_mem>>)
      } else {
      }
    } else {
    }
    %scan3A_82 = arith.constant 0 : i32
    %scan3A_83 = arith.constant 0 : i32
    %scan3A_84 = arith.constant 98 : i32
    %scan3A_85 = arith.addi %scan3A_83, %scan3A_84 : i32
    %scan3A_86 = arith.constant 1 : i32
    scf.for %scan3A_98 = %scan3A_83 to %scan3A_85 step %scan3A_86  : i32 {
      %mul3A_99 = arith.constant 2 : i32
      %mul3A_100 = arith.muli %scan3A_98, %mul3A_99 : i32
      %add3A_101 = arith.constant 0 : i32
      %add3A_102 = arith.addi %mul3A_100, %add3A_101 : i32
      %lt3A_103 = arith.cmpi slt, %add3A_102, %add3A_74 : i32
      %convert_element_type3A_104 = arith.extui %lt3A_103 : i1 to i32
      %cond3A_105 = arith.constant 0 : i32
      %cond3A_106 = arith.cmpi ne, %convert_element_type3A_104, %cond3A_105 : i32
      scf.if %cond3A_106 {
        %mul3A_115 = arith.constant 16 : i32
        %mul3A_116 = arith.muli %add3A_102, %mul3A_115 : i32
        %add3A_117 = arith.addi %arg1, %mul3A_116 : i32
        %dma_wait3A = arith.constant 0 : i32
        %dma_wait3A_118 = arith.constant 0 : i32
        %dma_wait3A_119 = arith.constant 0 : i32
        %dma_wait3A_120 = arith.constant 0 : i32
        %dma_wait3A_121 = tpu.memref_slice %arg8[%dma_wait3A, %dma_wait3A_119, %dma_wait3A_120] : memref<2x4x128xi32, #tpu.memory_space<vmem>> -> memref<1x4x128xi32, #tpu.memory_space<vmem>>
        %dma_wait3A_122 = tpu.memref_squeeze %dma_wait3A_121 : memref<1x4x128xi32, #tpu.memory_space<vmem>> -> memref<4x128xi32, #tpu.memory_space<vmem>>
        %dma_wait3A_123 = arith.constant 0 : i32
        %dma_wait3A_124 = arith.constant 0 : i32
        %dma_wait3A_125 = tpu.memref_slice %arg4[%add3A_117, %dma_wait3A_123, %dma_wait3A_124] : memref<3125x4x128xi32, #tpu.memory_space<hbm>> -> memref<1x4x128xi32, #tpu.memory_space<hbm>>
        %dma_wait3A_126 = tpu.memref_squeeze %dma_wait3A_125 : memref<1x4x128xi32, #tpu.memory_space<hbm>> -> memref<4x128xi32, #tpu.memory_space<hbm>>
        %dma_wait3A_127 = tpu.memref_slice %arg11[%dma_wait3A_118] : memref<2x!tpu.dma_semaphore, #tpu.memory_space<semaphore_mem>> -> memref<1x!tpu.dma_semaphore, #tpu.memory_space<semaphore_mem>>
        %dma_wait3A_128 = tpu.memref_squeeze %dma_wait3A_127 : memref<1x!tpu.dma_semaphore, #tpu.memory_space<semaphore_mem>> -> memref<!tpu.dma_semaphore, #tpu.memory_space<semaphore_mem>>
        %dma_wait3A_129 = arith.constant 0 : i32
        %dma_wait3A_130 = arith.constant 0 : i32
        %dma_wait3A_131 = tpu.memref_slice %arg8[%dma_wait3A, %dma_wait3A_129, %dma_wait3A_130] : memref<2x4x128xi32, #tpu.memory_space<vmem>> -> memref<1x4x128xi32, #tpu.memory_space<vmem>>
        %dma_wait3A_132 = tpu.memref_squeeze %dma_wait3A_131 : memref<1x4x128xi32, #tpu.memory_space<vmem>> -> memref<4x128xi32, #tpu.memory_space<vmem>>
        %dma_wait3A_133 = arith.constant 0 : i32
        %dma_wait3A_134 = arith.constant 0 : i32
        %dma_wait3A_135 = tpu.memref_slice %arg4[%add3A_117, %dma_wait3A_133, %dma_wait3A_134] : memref<3125x4x128xi32, #tpu.memory_space<hbm>> -> memref<1x4x128xi32, #tpu.memory_space<hbm>>
        %dma_wait3A_136 = tpu.memref_squeeze %dma_wait3A_135 : memref<1x4x128xi32, #tpu.memory_space<hbm>> -> memref<4x128xi32, #tpu.memory_space<hbm>>
        tpu.wait_dma2 semaphore(%dma_wait3A_128 : memref<!tpu.dma_semaphore, #tpu.memory_space<semaphore_mem>>) src(%dma_wait3A_136 : memref<4x128xi32, #tpu.memory_space<hbm>>) dst(%dma_wait3A_132 : memref<4x128xi32, #tpu.memory_space<vmem>>)
        %mul3A_137 = arith.constant 512 : i32
        %mul3A_138 = arith.muli %add3A_117, %mul3A_137 : i32
        %dma_wait3A_139 = arith.constant 0 : i32
        %dma_wait3A_140 = arith.constant 0 : i32
        %dma_wait3A_141 = arith.constant 0 : i32
        %dma_wait3A_142 = arith.constant 0 : i32
        %dma_wait3A_143 = tpu.memref_slice %arg7[%dma_wait3A_139, %dma_wait3A_141, %dma_wait3A_142] : memref<2x512x16xf32, #tpu.memory_space<vmem>> -> memref<1x512x16xf32, #tpu.memory_space<vmem>>
        %dma_wait3A_144 = tpu.memref_squeeze %dma_wait3A_143 : memref<1x512x16xf32, #tpu.memory_space<vmem>> -> memref<512x16xf32, #tpu.memory_space<vmem>>
        %dma_wait3A_145 = arith.constant 0 : i32
        %dma_wait3A_146 = tpu.memref_slice %arg2[%mul3A_138, %dma_wait3A_145] : memref<1600000x16xf32, #tpu.memory_space<hbm>> -> memref<512x16xf32, #tpu.memory_space<hbm>>
        %dma_wait3A_147 = tpu.memref_slice %arg12[%dma_wait3A_140] : memref<2x!tpu.dma_semaphore, #tpu.memory_space<semaphore_mem>> -> memref<1x!tpu.dma_semaphore, #tpu.memory_space<semaphore_mem>>
        %dma_wait3A_148 = tpu.memref_squeeze %dma_wait3A_147 : memref<1x!tpu.dma_semaphore, #tpu.memory_space<semaphore_mem>> -> memref<!tpu.dma_semaphore, #tpu.memory_space<semaphore_mem>>
        %dma_wait3A_149 = arith.constant 0 : i32
        %dma_wait3A_150 = arith.constant 0 : i32
        %dma_wait3A_151 = tpu.memref_slice %arg7[%dma_wait3A_139, %dma_wait3A_149, %dma_wait3A_150] : memref<2x512x16xf32, #tpu.memory_space<vmem>> -> memref<1x512x16xf32, #tpu.memory_space<vmem>>
        %dma_wait3A_152 = tpu.memref_squeeze %dma_wait3A_151 : memref<1x512x16xf32, #tpu.memory_space<vmem>> -> memref<512x16xf32, #tpu.memory_space<vmem>>
        %dma_wait3A_153 = arith.constant 0 : i32
        %dma_wait3A_154 = tpu.memref_slice %arg2[%mul3A_138, %dma_wait3A_153] : memref<1600000x16xf32, #tpu.memory_space<hbm>> -> memref<512x16xf32, #tpu.memory_space<hbm>>
        tpu.wait_dma2 semaphore(%dma_wait3A_148 : memref<!tpu.dma_semaphore, #tpu.memory_space<semaphore_mem>>) src(%dma_wait3A_154 : memref<512x16xf32, #tpu.memory_space<hbm>>) dst(%dma_wait3A_152 : memref<512x16xf32, #tpu.memory_space<vmem>>)
        %dma_start3A = arith.constant 0 : i32
        %dma_start3A_155 = arith.constant 0 : i32
        %dma_start3A_156 = arith.constant 0 : i32
        %dma_start3A_157 = arith.constant 0 : i32
        %dma_start3A_158 = arith.constant 0 : i32
        %dma_start3A_159 = tpu.memref_slice %arg7[%dma_start3A, %dma_start3A_157, %dma_start3A_158] : memref<2x512x16xf32, #tpu.memory_space<vmem>> -> memref<1x128x16xf32, #tpu.memory_space<vmem>>
        %dma_start3A_160 = tpu.memref_squeeze %dma_start3A_159 : memref<1x128x16xf32, #tpu.memory_space<vmem>> -> memref<128x16xf32, #tpu.memory_space<vmem>>
        %dma_start3A_161 = arith.constant 0 : i32
        %dma_start3A_162 = tpu.memref_slice %arg8[%dma_start3A_155, %dma_start3A_156, %dma_start3A_161] : memref<2x4x128xi32, #tpu.memory_space<vmem>> -> memref<1x1x128xi32, #tpu.memory_space<vmem>>
        %dma_start3A_163 = tpu.memref_squeeze %dma_start3A_162 : memref<1x1x128xi32, #tpu.memory_space<vmem>> -> memref<128xi32, #tpu.memory_space<vmem>>
        %dma_start3A_164 = arith.constant 0 : i32
        %dma_start3A_165 = arith.constant 0 : i32
        %dma_start3A_166 = tpu.memref_slice %arg10[%dma_start3A_164, %dma_start3A_165] : memref<100096x16xf32, #tpu.memory_space<vmem_shared>> -> memref<100096x16xf32, #tpu.memory_space<vmem_shared>>
        tpu.enqueue_indirect_dma source(%dma_start3A_160 : memref<128x16xf32, #tpu.memory_space<vmem>>) target(%dma_start3A_166 : memref<100096x16xf32, #tpu.memory_space<vmem_shared>>) offsets(%dma_start3A_163 : memref<128xi32, #tpu.memory_space<vmem>>) semaphore(%arg13 : memref<!tpu.dma_semaphore, #tpu.memory_space<semaphore_mem>>) {add = true}
        %dma_start3A_167 = arith.constant 0 : i32
        %dma_start3A_168 = arith.constant 0 : i32
        %dma_start3A_169 = arith.constant 1 : i32
        %dma_start3A_170 = arith.constant 128 : i32
        %dma_start3A_171 = arith.constant 0 : i32
        %dma_start3A_172 = tpu.memref_slice %arg7[%dma_start3A_167, %dma_start3A_170, %dma_start3A_171] : memref<2x512x16xf32, #tpu.memory_space<vmem>> -> memref<1x128x16xf32, #tpu.memory_space<vmem>>
        %dma_start3A_173 = tpu.memref_squeeze %dma_start3A_172 : memref<1x128x16xf32, #tpu.memory_space<vmem>> -> memref<128x16xf32, #tpu.memory_space<vmem>>
        %dma_start3A_174 = arith.constant 0 : i32
        %dma_start3A_175 = tpu.memref_slice %arg8[%dma_start3A_168, %dma_start3A_169, %dma_start3A_174] : memref<2x4x128xi32, #tpu.memory_space<vmem>> -> memref<1x1x128xi32, #tpu.memory_space<vmem>>
        %dma_start3A_176 = tpu.memref_squeeze %dma_start3A_175 : memref<1x1x128xi32, #tpu.memory_space<vmem>> -> memref<128xi32, #tpu.memory_space<vmem>>
        %dma_start3A_177 = arith.constant 0 : i32
        %dma_start3A_178 = arith.constant 0 : i32
        %dma_start3A_179 = tpu.memref_slice %arg10[%dma_start3A_177, %dma_start3A_178] : memref<100096x16xf32, #tpu.memory_space<vmem_shared>> -> memref<100096x16xf32, #tpu.memory_space<vmem_shared>>
        tpu.enqueue_indirect_dma source(%dma_start3A_173 : memref<128x16xf32, #tpu.memory_space<vmem>>) target(%dma_start3A_179 : memref<100096x16xf32, #tpu.memory_space<vmem_shared>>) offsets(%dma_start3A_176 : memref<128xi32, #tpu.memory_space<vmem>>) semaphore(%arg13 : memref<!tpu.dma_semaphore, #tpu.memory_space<semaphore_mem>>) {add = true}
        %dma_start3A_180 = arith.constant 0 : i32
        %dma_start3A_181 = arith.constant 0 : i32
        %dma_start3A_182 = arith.constant 2 : i32
        %dma_start3A_183 = arith.constant 256 : i32
        %dma_start3A_184 = arith.constant 0 : i32
        %dma_start3A_185 = tpu.memref_slice %arg7[%dma_start3A_180, %dma_start3A_183, %dma_start3A_184] : memref<2x512x16xf32, #tpu.memory_space<vmem>> -> memref<1x128x16xf32, #tpu.memory_space<vmem>>
        %dma_start3A_186 = tpu.memref_squeeze %dma_start3A_185 : memref<1x128x16xf32, #tpu.memory_space<vmem>> -> memref<128x16xf32, #tpu.memory_space<vmem>>
        %dma_start3A_187 = arith.constant 0 : i32
        %dma_start3A_188 = tpu.memref_slice %arg8[%dma_start3A_181, %dma_start3A_182, %dma_start3A_187] : memref<2x4x128xi32, #tpu.memory_space<vmem>> -> memref<1x1x128xi32, #tpu.memory_space<vmem>>
        %dma_start3A_189 = tpu.memref_squeeze %dma_start3A_188 : memref<1x1x128xi32, #tpu.memory_space<vmem>> -> memref<128xi32, #tpu.memory_space<vmem>>
        %dma_start3A_190 = arith.constant 0 : i32
        %dma_start3A_191 = arith.constant 0 : i32
        %dma_start3A_192 = tpu.memref_slice %arg10[%dma_start3A_190, %dma_start3A_191] : memref<100096x16xf32, #tpu.memory_space<vmem_shared>> -> memref<100096x16xf32, #tpu.memory_space<vmem_shared>>
        tpu.enqueue_indirect_dma source(%dma_start3A_186 : memref<128x16xf32, #tpu.memory_space<vmem>>) target(%dma_start3A_192 : memref<100096x16xf32, #tpu.memory_space<vmem_shared>>) offsets(%dma_start3A_189 : memref<128xi32, #tpu.memory_space<vmem>>) semaphore(%arg13 : memref<!tpu.dma_semaphore, #tpu.memory_space<semaphore_mem>>) {add = true}
        %dma_start3A_193 = arith.constant 0 : i32
        %dma_start3A_194 = arith.constant 0 : i32
        %dma_start3A_195 = arith.constant 3 : i32
        %dma_start3A_196 = arith.constant 384 : i32
        %dma_start3A_197 = arith.constant 0 : i32
        %dma_start3A_198 = tpu.memref_slice %arg7[%dma_start3A_193, %dma_start3A_196, %dma_start3A_197] : memref<2x512x16xf32, #tpu.memory_space<vmem>> -> memref<1x128x16xf32, #tpu.memory_space<vmem>>
        %dma_start3A_199 = tpu.memref_squeeze %dma_start3A_198 : memref<1x128x16xf32, #tpu.memory_space<vmem>> -> memref<128x16xf32, #tpu.memory_space<vmem>>
        %dma_start3A_200 = arith.constant 0 : i32
        %dma_start3A_201 = tpu.memref_slice %arg8[%dma_start3A_194, %dma_start3A_195, %dma_start3A_200] : memref<2x4x128xi32, #tpu.memory_space<vmem>> -> memref<1x1x128xi32, #tpu.memory_space<vmem>>
        %dma_start3A_202 = tpu.memref_squeeze %dma_start3A_201 : memref<1x1x128xi32, #tpu.memory_space<vmem>> -> memref<128xi32, #tpu.memory_space<vmem>>
        %dma_start3A_203 = arith.constant 0 : i32
        %dma_start3A_204 = arith.constant 0 : i32
        %dma_start3A_205 = tpu.memref_slice %arg10[%dma_start3A_203, %dma_start3A_204] : memref<100096x16xf32, #tpu.memory_space<vmem_shared>> -> memref<100096x16xf32, #tpu.memory_space<vmem_shared>>
        tpu.enqueue_indirect_dma source(%dma_start3A_199 : memref<128x16xf32, #tpu.memory_space<vmem>>) target(%dma_start3A_205 : memref<100096x16xf32, #tpu.memory_space<vmem_shared>>) offsets(%dma_start3A_202 : memref<128xi32, #tpu.memory_space<vmem>>) semaphore(%arg13 : memref<!tpu.dma_semaphore, #tpu.memory_space<semaphore_mem>>) {add = true}
        %dma_wait3A_206 = arith.constant 0 : i32
        %dma_wait3A_207 = arith.constant 0 : i32
        %dma_wait3A_208 = arith.constant 0 : i32
        %dma_wait3A_209 = arith.constant 0 : i32
        %dma_wait3A_210 = arith.constant 0 : i32
        %dma_wait3A_211 = tpu.memref_slice %arg7[%dma_wait3A_206, %dma_wait3A_209, %dma_wait3A_210] : memref<2x512x16xf32, #tpu.memory_space<vmem>> -> memref<1x128x16xf32, #tpu.memory_space<vmem>>
        %dma_wait3A_212 = tpu.memref_squeeze %dma_wait3A_211 : memref<1x128x16xf32, #tpu.memory_space<vmem>> -> memref<128x16xf32, #tpu.memory_space<vmem>>
        %dma_wait3A_213 = arith.constant 0 : i32
        %dma_wait3A_214 = tpu.memref_slice %arg8[%dma_wait3A_207, %dma_wait3A_208, %dma_wait3A_213] : memref<2x4x128xi32, #tpu.memory_space<vmem>> -> memref<1x1x128xi32, #tpu.memory_space<vmem>>
        %dma_wait3A_215 = tpu.memref_squeeze %dma_wait3A_214 : memref<1x1x128xi32, #tpu.memory_space<vmem>> -> memref<128xi32, #tpu.memory_space<vmem>>
        %dma_wait3A_216 = arith.constant 0 : i32
        %dma_wait3A_217 = arith.constant 0 : i32
        %dma_wait3A_218 = tpu.memref_slice %arg10[%dma_wait3A_216, %dma_wait3A_217] : memref<100096x16xf32, #tpu.memory_space<vmem_shared>> -> memref<100096x16xf32, #tpu.memory_space<vmem_shared>>
        tpu.wait_indirect_dma semaphore(%arg13 : memref<!tpu.dma_semaphore, #tpu.memory_space<semaphore_mem>>) src(%dma_wait3A_212 : memref<128x16xf32, #tpu.memory_space<vmem>>) dst(%dma_wait3A_218 : memref<100096x16xf32, #tpu.memory_space<vmem_shared>>)
        %dma_wait3A_219 = arith.constant 0 : i32
        %dma_wait3A_220 = arith.constant 0 : i32
        %dma_wait3A_221 = arith.constant 1 : i32
        %dma_wait3A_222 = arith.constant 128 : i32
        %dma_wait3A_223 = arith.constant 0 : i32
        %dma_wait3A_224 = tpu.memref_slice %arg7[%dma_wait3A_219, %dma_wait3A_222, %dma_wait3A_223] : memref<2x512x16xf32, #tpu.memory_space<vmem>> -> memref<1x128x16xf32, #tpu.memory_space<vmem>>
        %dma_wait3A_225 = tpu.memref_squeeze %dma_wait3A_224 : memref<1x128x16xf32, #tpu.memory_space<vmem>> -> memref<128x16xf32, #tpu.memory_space<vmem>>
        %dma_wait3A_226 = arith.constant 0 : i32
        %dma_wait3A_227 = tpu.memref_slice %arg8[%dma_wait3A_220, %dma_wait3A_221, %dma_wait3A_226] : memref<2x4x128xi32, #tpu.memory_space<vmem>> -> memref<1x1x128xi32, #tpu.memory_space<vmem>>
        %dma_wait3A_228 = tpu.memref_squeeze %dma_wait3A_227 : memref<1x1x128xi32, #tpu.memory_space<vmem>> -> memref<128xi32, #tpu.memory_space<vmem>>
        %dma_wait3A_229 = arith.constant 0 : i32
        %dma_wait3A_230 = arith.constant 0 : i32
        %dma_wait3A_231 = tpu.memref_slice %arg10[%dma_wait3A_229, %dma_wait3A_230] : memref<100096x16xf32, #tpu.memory_space<vmem_shared>> -> memref<100096x16xf32, #tpu.memory_space<vmem_shared>>
        tpu.wait_indirect_dma semaphore(%arg13 : memref<!tpu.dma_semaphore, #tpu.memory_space<semaphore_mem>>) src(%dma_wait3A_225 : memref<128x16xf32, #tpu.memory_space<vmem>>) dst(%dma_wait3A_231 : memref<100096x16xf32, #tpu.memory_space<vmem_shared>>)
        %dma_wait3A_232 = arith.constant 0 : i32
        %dma_wait3A_233 = arith.constant 0 : i32
        %dma_wait3A_234 = arith.constant 2 : i32
        %dma_wait3A_235 = arith.constant 256 : i32
        %dma_wait3A_236 = arith.constant 0 : i32
        %dma_wait3A_237 = tpu.memref_slice %arg7[%dma_wait3A_232, %dma_wait3A_235, %dma_wait3A_236] : memref<2x512x16xf32, #tpu.memory_space<vmem>> -> memref<1x128x16xf32, #tpu.memory_space<vmem>>
        %dma_wait3A_238 = tpu.memref_squeeze %dma_wait3A_237 : memref<1x128x16xf32, #tpu.memory_space<vmem>> -> memref<128x16xf32, #tpu.memory_space<vmem>>
        %dma_wait3A_239 = arith.constant 0 : i32
        %dma_wait3A_240 = tpu.memref_slice %arg8[%dma_wait3A_233, %dma_wait3A_234, %dma_wait3A_239] : memref<2x4x128xi32, #tpu.memory_space<vmem>> -> memref<1x1x128xi32, #tpu.memory_space<vmem>>
        %dma_wait3A_241 = tpu.memref_squeeze %dma_wait3A_240 : memref<1x1x128xi32, #tpu.memory_space<vmem>> -> memref<128xi32, #tpu.memory_space<vmem>>
        %dma_wait3A_242 = arith.constant 0 : i32
        %dma_wait3A_243 = arith.constant 0 : i32
        %dma_wait3A_244 = tpu.memref_slice %arg10[%dma_wait3A_242, %dma_wait3A_243] : memref<100096x16xf32, #tpu.memory_space<vmem_shared>> -> memref<100096x16xf32, #tpu.memory_space<vmem_shared>>
        tpu.wait_indirect_dma semaphore(%arg13 : memref<!tpu.dma_semaphore, #tpu.memory_space<semaphore_mem>>) src(%dma_wait3A_238 : memref<128x16xf32, #tpu.memory_space<vmem>>) dst(%dma_wait3A_244 : memref<100096x16xf32, #tpu.memory_space<vmem_shared>>)
        %dma_wait3A_245 = arith.constant 0 : i32
        %dma_wait3A_246 = arith.constant 0 : i32
        %dma_wait3A_247 = arith.constant 3 : i32
        %dma_wait3A_248 = arith.constant 384 : i32
        %dma_wait3A_249 = arith.constant 0 : i32
        %dma_wait3A_250 = tpu.memref_slice %arg7[%dma_wait3A_245, %dma_wait3A_248, %dma_wait3A_249] : memref<2x512x16xf32, #tpu.memory_space<vmem>> -> memref<1x128x16xf32, #tpu.memory_space<vmem>>
        %dma_wait3A_251 = tpu.memref_squeeze %dma_wait3A_250 : memref<1x128x16xf32, #tpu.memory_space<vmem>> -> memref<128x16xf32, #tpu.memory_space<vmem>>
        %dma_wait3A_252 = arith.constant 0 : i32
        %dma_wait3A_253 = tpu.memref_slice %arg8[%dma_wait3A_246, %dma_wait3A_247, %dma_wait3A_252] : memref<2x4x128xi32, #tpu.memory_space<vmem>> -> memref<1x1x128xi32, #tpu.memory_space<vmem>>
        %dma_wait3A_254 = tpu.memref_squeeze %dma_wait3A_253 : memref<1x1x128xi32, #tpu.memory_space<vmem>> -> memref<128xi32, #tpu.memory_space<vmem>>
        %dma_wait3A_255 = arith.constant 0 : i32
        %dma_wait3A_256 = arith.constant 0 : i32
        %dma_wait3A_257 = tpu.memref_slice %arg10[%dma_wait3A_255, %dma_wait3A_256] : memref<100096x16xf32, #tpu.memory_space<vmem_shared>> -> memref<100096x16xf32, #tpu.memory_space<vmem_shared>>
        tpu.wait_indirect_dma semaphore(%arg13 : memref<!tpu.dma_semaphore, #tpu.memory_space<semaphore_mem>>) src(%dma_wait3A_251 : memref<128x16xf32, #tpu.memory_space<vmem>>) dst(%dma_wait3A_257 : memref<100096x16xf32, #tpu.memory_space<vmem_shared>>)
        %add3A_258 = arith.constant 2 : i32
        %add3A_259 = arith.addi %add3A_102, %add3A_258 : i32
        %lt3A_260 = arith.cmpi slt, %add3A_259, %add3A_74 : i32
        %convert_element_type3A_261 = arith.extui %lt3A_260 : i1 to i32
        %cond3A_262 = arith.constant 0 : i32
        %cond3A_263 = arith.cmpi ne, %convert_element_type3A_261, %cond3A_262 : i32
        scf.if %cond3A_263 {
          %add3A_264 = arith.constant 2 : i32
          %add3A_265 = arith.addi %add3A_102, %add3A_264 : i32
          %mul3A_266 = arith.constant 16 : i32
          %mul3A_267 = arith.muli %add3A_265, %mul3A_266 : i32
          %add3A_268 = arith.addi %arg1, %mul3A_267 : i32
          %dma_start3A_269 = arith.constant 0 : i32
          %dma_start3A_270 = arith.constant 0 : i32
          %dma_start3A_271 = arith.constant 0 : i32
          %dma_start3A_272 = arith.constant 0 : i32
          %dma_start3A_273 = tpu.memref_slice %arg8[%dma_start3A_269, %dma_start3A_271, %dma_start3A_272] : memref<2x4x128xi32, #tpu.memory_space<vmem>> -> memref<1x4x128xi32, #tpu.memory_space<vmem>>
          %dma_start3A_274 = tpu.memref_squeeze %dma_start3A_273 : memref<1x4x128xi32, #tpu.memory_space<vmem>> -> memref<4x128xi32, #tpu.memory_space<vmem>>
          %dma_start3A_275 = arith.constant 0 : i32
          %dma_start3A_276 = arith.constant 0 : i32
          %dma_start3A_277 = tpu.memref_slice %arg4[%add3A_268, %dma_start3A_275, %dma_start3A_276] : memref<3125x4x128xi32, #tpu.memory_space<hbm>> -> memref<1x4x128xi32, #tpu.memory_space<hbm>>
          %dma_start3A_278 = tpu.memref_squeeze %dma_start3A_277 : memref<1x4x128xi32, #tpu.memory_space<hbm>> -> memref<4x128xi32, #tpu.memory_space<hbm>>
          %dma_start3A_279 = tpu.memref_slice %arg11[%dma_start3A_270] : memref<2x!tpu.dma_semaphore, #tpu.memory_space<semaphore_mem>> -> memref<1x!tpu.dma_semaphore, #tpu.memory_space<semaphore_mem>>
          %dma_start3A_280 = tpu.memref_squeeze %dma_start3A_279 : memref<1x!tpu.dma_semaphore, #tpu.memory_space<semaphore_mem>> -> memref<!tpu.dma_semaphore, #tpu.memory_space<semaphore_mem>>
          %dma_start3A_281 = arith.constant 0 : i32
          %dma_start3A_282 = arith.constant 0 : i32
          %dma_start3A_283 = tpu.memref_slice %arg8[%dma_start3A_269, %dma_start3A_281, %dma_start3A_282] : memref<2x4x128xi32, #tpu.memory_space<vmem>> -> memref<1x4x128xi32, #tpu.memory_space<vmem>>
          %dma_start3A_284 = tpu.memref_squeeze %dma_start3A_283 : memref<1x4x128xi32, #tpu.memory_space<vmem>> -> memref<4x128xi32, #tpu.memory_space<vmem>>
          %dma_start3A_285 = arith.constant 0 : i32
          %dma_start3A_286 = arith.constant 0 : i32
          %dma_start3A_287 = tpu.memref_slice %arg4[%add3A_268, %dma_start3A_285, %dma_start3A_286] : memref<3125x4x128xi32, #tpu.memory_space<hbm>> -> memref<1x4x128xi32, #tpu.memory_space<hbm>>
          %dma_start3A_288 = tpu.memref_squeeze %dma_start3A_287 : memref<1x4x128xi32, #tpu.memory_space<hbm>> -> memref<4x128xi32, #tpu.memory_space<hbm>>
          tpu.enqueue_dma source(%dma_start3A_288 : memref<4x128xi32, #tpu.memory_space<hbm>>) target(%dma_start3A_284 : memref<4x128xi32, #tpu.memory_space<vmem>>) target_semaphore(%dma_start3A_280 : memref<!tpu.dma_semaphore, #tpu.memory_space<semaphore_mem>>)
          %eq3A_289 = arith.constant 0 : i32
          %eq3A_290 = arith.cmpi eq, %arg0, %eq3A_289 : i32
          %convert_element_type3A_291 = arith.extui %eq3A_290 : i1 to i32
          %cond3A_292 = arith.constant 0 : i32
          %cond3A_293 = arith.cmpi ne, %convert_element_type3A_291, %cond3A_292 : i32
          scf.if %cond3A_293 {
            %mul3A_299 = arith.constant 512 : i32
            %mul3A_300 = arith.muli %add3A_268, %mul3A_299 : i32
            %dma_start3A_301 = arith.constant 0 : i32
            %dma_start3A_302 = arith.constant 0 : i32
            %dma_start3A_303 = arith.constant 0 : i32
            %dma_start3A_304 = arith.constant 0 : i32
            %dma_start3A_305 = tpu.memref_slice %arg7[%dma_start3A_301, %dma_start3A_303, %dma_start3A_304] : memref<2x512x16xf32, #tpu.memory_space<vmem>> -> memref<1x512x16xf32, #tpu.memory_space<vmem>>
            %dma_start3A_306 = tpu.memref_squeeze %dma_start3A_305 : memref<1x512x16xf32, #tpu.memory_space<vmem>> -> memref<512x16xf32, #tpu.memory_space<vmem>>
            %dma_start3A_307 = arith.constant 0 : i32
            %dma_start3A_308 = tpu.memref_slice %arg2[%mul3A_300, %dma_start3A_307] : memref<1600000x16xf32, #tpu.memory_space<hbm>> -> memref<512x16xf32, #tpu.memory_space<hbm>>
            %dma_start3A_309 = tpu.memref_slice %arg12[%dma_start3A_302] : memref<2x!tpu.dma_semaphore, #tpu.memory_space<semaphore_mem>> -> memref<1x!tpu.dma_semaphore, #tpu.memory_space<semaphore_mem>>
            %dma_start3A_310 = tpu.memref_squeeze %dma_start3A_309 : memref<1x!tpu.dma_semaphore, #tpu.memory_space<semaphore_mem>> -> memref<!tpu.dma_semaphore, #tpu.memory_space<semaphore_mem>>
            %dma_start3A_311 = arith.constant 0 : i32
            %dma_start3A_312 = arith.constant 0 : i32
            %dma_start3A_313 = tpu.memref_slice %arg7[%dma_start3A_301, %dma_start3A_311, %dma_start3A_312] : memref<2x512x16xf32, #tpu.memory_space<vmem>> -> memref<1x512x16xf32, #tpu.memory_space<vmem>>
            %dma_start3A_314 = tpu.memref_squeeze %dma_start3A_313 : memref<1x512x16xf32, #tpu.memory_space<vmem>> -> memref<512x16xf32, #tpu.memory_space<vmem>>
            %dma_start3A_315 = arith.constant 0 : i32
            %dma_start3A_316 = tpu.memref_slice %arg2[%mul3A_300, %dma_start3A_315] : memref<1600000x16xf32, #tpu.memory_space<hbm>> -> memref<512x16xf32, #tpu.memory_space<hbm>>
            tpu.enqueue_dma source(%dma_start3A_316 : memref<512x16xf32, #tpu.memory_space<hbm>>) target(%dma_start3A_314 : memref<512x16xf32, #tpu.memory_space<vmem>>) target_semaphore(%dma_start3A_310 : memref<!tpu.dma_semaphore, #tpu.memory_space<semaphore_mem>>)
          } else {
          }
          %eq3A_294 = arith.constant 1 : i32
          %eq3A_295 = arith.cmpi eq, %arg0, %eq3A_294 : i32
          %convert_element_type3A_296 = arith.extui %eq3A_295 : i1 to i32
          %cond3A_297 = arith.constant 0 : i32
          %cond3A_298 = arith.cmpi ne, %convert_element_type3A_296, %cond3A_297 : i32
          scf.if %cond3A_298 {
            %mul3A_299 = arith.constant 512 : i32
            %mul3A_300 = arith.muli %add3A_268, %mul3A_299 : i32
            %dma_start3A_301 = arith.constant 0 : i32
            %dma_start3A_302 = arith.constant 0 : i32
            %dma_start3A_303 = arith.constant 0 : i32
            %dma_start3A_304 = arith.constant 0 : i32
            %dma_start3A_305 = tpu.memref_slice %arg7[%dma_start3A_301, %dma_start3A_303, %dma_start3A_304] : memref<2x512x16xf32, #tpu.memory_space<vmem>> -> memref<1x512x16xf32, #tpu.memory_space<vmem>>
            %dma_start3A_306 = tpu.memref_squeeze %dma_start3A_305 : memref<1x512x16xf32, #tpu.memory_space<vmem>> -> memref<512x16xf32, #tpu.memory_space<vmem>>
            %dma_start3A_307 = arith.constant 0 : i32
            %dma_start3A_308 = tpu.memref_slice %arg3[%mul3A_300, %dma_start3A_307] : memref<1600000x16xf32, #tpu.memory_space<hbm>> -> memref<512x16xf32, #tpu.memory_space<hbm>>
            %dma_start3A_309 = tpu.memref_slice %arg12[%dma_start3A_302] : memref<2x!tpu.dma_semaphore, #tpu.memory_space<semaphore_mem>> -> memref<1x!tpu.dma_semaphore, #tpu.memory_space<semaphore_mem>>
            %dma_start3A_310 = tpu.memref_squeeze %dma_start3A_309 : memref<1x!tpu.dma_semaphore, #tpu.memory_space<semaphore_mem>> -> memref<!tpu.dma_semaphore, #tpu.memory_space<semaphore_mem>>
            %dma_start3A_311 = arith.constant 0 : i32
            %dma_start3A_312 = arith.constant 0 : i32
            %dma_start3A_313 = tpu.memref_slice %arg7[%dma_start3A_301, %dma_start3A_311, %dma_start3A_312] : memref<2x512x16xf32, #tpu.memory_space<vmem>> -> memref<1x512x16xf32, #tpu.memory_space<vmem>>
            %dma_start3A_314 = tpu.memref_squeeze %dma_start3A_313 : memref<1x512x16xf32, #tpu.memory_space<vmem>> -> memref<512x16xf32, #tpu.memory_space<vmem>>
            %dma_start3A_315 = arith.constant 0 : i32
            %dma_start3A_316 = tpu.memref_slice %arg3[%mul3A_300, %dma_start3A_315] : memref<1600000x16xf32, #tpu.memory_space<hbm>> -> memref<512x16xf32, #tpu.memory_space<hbm>>
            tpu.enqueue_dma source(%dma_start3A_316 : memref<512x16xf32, #tpu.memory_space<hbm>>) target(%dma_start3A_314 : memref<512x16xf32, #tpu.memory_space<vmem>>) target_semaphore(%dma_start3A_310 : memref<!tpu.dma_semaphore, #tpu.memory_space<semaphore_mem>>)
          } else {
          }
        } else {
        }
      } else {
      }
      %mul3A_107 = arith.constant 2 : i32
      %mul3A_108 = arith.muli %scan3A_98, %mul3A_107 : i32
      %add3A_109 = arith.constant 1 : i32
      %add3A_110 = arith.addi %mul3A_108, %add3A_109 : i32
      %lt3A_111 = arith.cmpi slt, %add3A_110, %add3A_74 : i32
      %convert_element_type3A_112 = arith.extui %lt3A_111 : i1 to i32
      %cond3A_113 = arith.constant 0 : i32
      %cond3A_114 = arith.cmpi ne, %convert_element_type3A_112, %cond3A_113 : i32
      scf.if %cond3A_114 {
        %mul3A_115 = arith.constant 16 : i32
        %mul3A_116 = arith.muli %add3A_110, %mul3A_115 : i32
        %add3A_117 = arith.addi %arg1, %mul3A_116 : i32
        %dma_wait3A = arith.constant 1 : i32
        %dma_wait3A_118 = arith.constant 1 : i32
        %dma_wait3A_119 = arith.constant 0 : i32
        %dma_wait3A_120 = arith.constant 0 : i32
        %dma_wait3A_121 = tpu.memref_slice %arg8[%dma_wait3A, %dma_wait3A_119, %dma_wait3A_120] : memref<2x4x128xi32, #tpu.memory_space<vmem>> -> memref<1x4x128xi32, #tpu.memory_space<vmem>>
        %dma_wait3A_122 = tpu.memref_squeeze %dma_wait3A_121 : memref<1x4x128xi32, #tpu.memory_space<vmem>> -> memref<4x128xi32, #tpu.memory_space<vmem>>
        %dma_wait3A_123 = arith.constant 0 : i32
        %dma_wait3A_124 = arith.constant 0 : i32
        %dma_wait3A_125 = tpu.memref_slice %arg4[%add3A_117, %dma_wait3A_123, %dma_wait3A_124] : memref<3125x4x128xi32, #tpu.memory_space<hbm>> -> memref<1x4x128xi32, #tpu.memory_space<hbm>>
        %dma_wait3A_126 = tpu.memref_squeeze %dma_wait3A_125 : memref<1x4x128xi32, #tpu.memory_space<hbm>> -> memref<4x128xi32, #tpu.memory_space<hbm>>
        %dma_wait3A_127 = tpu.memref_slice %arg11[%dma_wait3A_118] : memref<2x!tpu.dma_semaphore, #tpu.memory_space<semaphore_mem>> -> memref<1x!tpu.dma_semaphore, #tpu.memory_space<semaphore_mem>>
        %dma_wait3A_128 = tpu.memref_squeeze %dma_wait3A_127 : memref<1x!tpu.dma_semaphore, #tpu.memory_space<semaphore_mem>> -> memref<!tpu.dma_semaphore, #tpu.memory_space<semaphore_mem>>
        %dma_wait3A_129 = arith.constant 0 : i32
        %dma_wait3A_130 = arith.constant 0 : i32
        %dma_wait3A_131 = tpu.memref_slice %arg8[%dma_wait3A, %dma_wait3A_129, %dma_wait3A_130] : memref<2x4x128xi32, #tpu.memory_space<vmem>> -> memref<1x4x128xi32, #tpu.memory_space<vmem>>
        %dma_wait3A_132 = tpu.memref_squeeze %dma_wait3A_131 : memref<1x4x128xi32, #tpu.memory_space<vmem>> -> memref<4x128xi32, #tpu.memory_space<vmem>>
        %dma_wait3A_133 = arith.constant 0 : i32
        %dma_wait3A_134 = arith.constant 0 : i32
        %dma_wait3A_135 = tpu.memref_slice %arg4[%add3A_117, %dma_wait3A_133, %dma_wait3A_134] : memref<3125x4x128xi32, #tpu.memory_space<hbm>> -> memref<1x4x128xi32, #tpu.memory_space<hbm>>
        %dma_wait3A_136 = tpu.memref_squeeze %dma_wait3A_135 : memref<1x4x128xi32, #tpu.memory_space<hbm>> -> memref<4x128xi32, #tpu.memory_space<hbm>>
        tpu.wait_dma2 semaphore(%dma_wait3A_128 : memref<!tpu.dma_semaphore, #tpu.memory_space<semaphore_mem>>) src(%dma_wait3A_136 : memref<4x128xi32, #tpu.memory_space<hbm>>) dst(%dma_wait3A_132 : memref<4x128xi32, #tpu.memory_space<vmem>>)
        %mul3A_137 = arith.constant 512 : i32
        %mul3A_138 = arith.muli %add3A_117, %mul3A_137 : i32
        %dma_wait3A_139 = arith.constant 1 : i32
        %dma_wait3A_140 = arith.constant 1 : i32
        %dma_wait3A_141 = arith.constant 0 : i32
        %dma_wait3A_142 = arith.constant 0 : i32
        %dma_wait3A_143 = tpu.memref_slice %arg7[%dma_wait3A_139, %dma_wait3A_141, %dma_wait3A_142] : memref<2x512x16xf32, #tpu.memory_space<vmem>> -> memref<1x512x16xf32, #tpu.memory_space<vmem>>
        %dma_wait3A_144 = tpu.memref_squeeze %dma_wait3A_143 : memref<1x512x16xf32, #tpu.memory_space<vmem>> -> memref<512x16xf32, #tpu.memory_space<vmem>>
        %dma_wait3A_145 = arith.constant 0 : i32
        %dma_wait3A_146 = tpu.memref_slice %arg2[%mul3A_138, %dma_wait3A_145] : memref<1600000x16xf32, #tpu.memory_space<hbm>> -> memref<512x16xf32, #tpu.memory_space<hbm>>
        %dma_wait3A_147 = tpu.memref_slice %arg12[%dma_wait3A_140] : memref<2x!tpu.dma_semaphore, #tpu.memory_space<semaphore_mem>> -> memref<1x!tpu.dma_semaphore, #tpu.memory_space<semaphore_mem>>
        %dma_wait3A_148 = tpu.memref_squeeze %dma_wait3A_147 : memref<1x!tpu.dma_semaphore, #tpu.memory_space<semaphore_mem>> -> memref<!tpu.dma_semaphore, #tpu.memory_space<semaphore_mem>>
        %dma_wait3A_149 = arith.constant 0 : i32
        %dma_wait3A_150 = arith.constant 0 : i32
        %dma_wait3A_151 = tpu.memref_slice %arg7[%dma_wait3A_139, %dma_wait3A_149, %dma_wait3A_150] : memref<2x512x16xf32, #tpu.memory_space<vmem>> -> memref<1x512x16xf32, #tpu.memory_space<vmem>>
        %dma_wait3A_152 = tpu.memref_squeeze %dma_wait3A_151 : memref<1x512x16xf32, #tpu.memory_space<vmem>> -> memref<512x16xf32, #tpu.memory_space<vmem>>
        %dma_wait3A_153 = arith.constant 0 : i32
        %dma_wait3A_154 = tpu.memref_slice %arg2[%mul3A_138, %dma_wait3A_153] : memref<1600000x16xf32, #tpu.memory_space<hbm>> -> memref<512x16xf32, #tpu.memory_space<hbm>>
        tpu.wait_dma2 semaphore(%dma_wait3A_148 : memref<!tpu.dma_semaphore, #tpu.memory_space<semaphore_mem>>) src(%dma_wait3A_154 : memref<512x16xf32, #tpu.memory_space<hbm>>) dst(%dma_wait3A_152 : memref<512x16xf32, #tpu.memory_space<vmem>>)
        %dma_start3A = arith.constant 1 : i32
        %dma_start3A_155 = arith.constant 1 : i32
        %dma_start3A_156 = arith.constant 0 : i32
        %dma_start3A_157 = arith.constant 0 : i32
        %dma_start3A_158 = arith.constant 0 : i32
        %dma_start3A_159 = tpu.memref_slice %arg7[%dma_start3A, %dma_start3A_157, %dma_start3A_158] : memref<2x512x16xf32, #tpu.memory_space<vmem>> -> memref<1x128x16xf32, #tpu.memory_space<vmem>>
        %dma_start3A_160 = tpu.memref_squeeze %dma_start3A_159 : memref<1x128x16xf32, #tpu.memory_space<vmem>> -> memref<128x16xf32, #tpu.memory_space<vmem>>
        %dma_start3A_161 = arith.constant 0 : i32
        %dma_start3A_162 = tpu.memref_slice %arg8[%dma_start3A_155, %dma_start3A_156, %dma_start3A_161] : memref<2x4x128xi32, #tpu.memory_space<vmem>> -> memref<1x1x128xi32, #tpu.memory_space<vmem>>
        %dma_start3A_163 = tpu.memref_squeeze %dma_start3A_162 : memref<1x1x128xi32, #tpu.memory_space<vmem>> -> memref<128xi32, #tpu.memory_space<vmem>>
        %dma_start3A_164 = arith.constant 0 : i32
        %dma_start3A_165 = arith.constant 0 : i32
        %dma_start3A_166 = tpu.memref_slice %arg10[%dma_start3A_164, %dma_start3A_165] : memref<100096x16xf32, #tpu.memory_space<vmem_shared>> -> memref<100096x16xf32, #tpu.memory_space<vmem_shared>>
        tpu.enqueue_indirect_dma source(%dma_start3A_160 : memref<128x16xf32, #tpu.memory_space<vmem>>) target(%dma_start3A_166 : memref<100096x16xf32, #tpu.memory_space<vmem_shared>>) offsets(%dma_start3A_163 : memref<128xi32, #tpu.memory_space<vmem>>) semaphore(%arg13 : memref<!tpu.dma_semaphore, #tpu.memory_space<semaphore_mem>>) {add = true}
        %dma_start3A_167 = arith.constant 1 : i32
        %dma_start3A_168 = arith.constant 1 : i32
        %dma_start3A_169 = arith.constant 1 : i32
        %dma_start3A_170 = arith.constant 128 : i32
        %dma_start3A_171 = arith.constant 0 : i32
        %dma_start3A_172 = tpu.memref_slice %arg7[%dma_start3A_167, %dma_start3A_170, %dma_start3A_171] : memref<2x512x16xf32, #tpu.memory_space<vmem>> -> memref<1x128x16xf32, #tpu.memory_space<vmem>>
        %dma_start3A_173 = tpu.memref_squeeze %dma_start3A_172 : memref<1x128x16xf32, #tpu.memory_space<vmem>> -> memref<128x16xf32, #tpu.memory_space<vmem>>
        %dma_start3A_174 = arith.constant 0 : i32
        %dma_start3A_175 = tpu.memref_slice %arg8[%dma_start3A_168, %dma_start3A_169, %dma_start3A_174] : memref<2x4x128xi32, #tpu.memory_space<vmem>> -> memref<1x1x128xi32, #tpu.memory_space<vmem>>
        %dma_start3A_176 = tpu.memref_squeeze %dma_start3A_175 : memref<1x1x128xi32, #tpu.memory_space<vmem>> -> memref<128xi32, #tpu.memory_space<vmem>>
        %dma_start3A_177 = arith.constant 0 : i32
        %dma_start3A_178 = arith.constant 0 : i32
        %dma_start3A_179 = tpu.memref_slice %arg10[%dma_start3A_177, %dma_start3A_178] : memref<100096x16xf32, #tpu.memory_space<vmem_shared>> -> memref<100096x16xf32, #tpu.memory_space<vmem_shared>>
        tpu.enqueue_indirect_dma source(%dma_start3A_173 : memref<128x16xf32, #tpu.memory_space<vmem>>) target(%dma_start3A_179 : memref<100096x16xf32, #tpu.memory_space<vmem_shared>>) offsets(%dma_start3A_176 : memref<128xi32, #tpu.memory_space<vmem>>) semaphore(%arg13 : memref<!tpu.dma_semaphore, #tpu.memory_space<semaphore_mem>>) {add = true}
        %dma_start3A_180 = arith.constant 1 : i32
        %dma_start3A_181 = arith.constant 1 : i32
        %dma_start3A_182 = arith.constant 2 : i32
        %dma_start3A_183 = arith.constant 256 : i32
        %dma_start3A_184 = arith.constant 0 : i32
        %dma_start3A_185 = tpu.memref_slice %arg7[%dma_start3A_180, %dma_start3A_183, %dma_start3A_184] : memref<2x512x16xf32, #tpu.memory_space<vmem>> -> memref<1x128x16xf32, #tpu.memory_space<vmem>>
        %dma_start3A_186 = tpu.memref_squeeze %dma_start3A_185 : memref<1x128x16xf32, #tpu.memory_space<vmem>> -> memref<128x16xf32, #tpu.memory_space<vmem>>
        %dma_start3A_187 = arith.constant 0 : i32
        %dma_start3A_188 = tpu.memref_slice %arg8[%dma_start3A_181, %dma_start3A_182, %dma_start3A_187] : memref<2x4x128xi32, #tpu.memory_space<vmem>> -> memref<1x1x128xi32, #tpu.memory_space<vmem>>
        %dma_start3A_189 = tpu.memref_squeeze %dma_start3A_188 : memref<1x1x128xi32, #tpu.memory_space<vmem>> -> memref<128xi32, #tpu.memory_space<vmem>>
        %dma_start3A_190 = arith.constant 0 : i32
        %dma_start3A_191 = arith.constant 0 : i32
        %dma_start3A_192 = tpu.memref_slice %arg10[%dma_start3A_190, %dma_start3A_191] : memref<100096x16xf32, #tpu.memory_space<vmem_shared>> -> memref<100096x16xf32, #tpu.memory_space<vmem_shared>>
        tpu.enqueue_indirect_dma source(%dma_start3A_186 : memref<128x16xf32, #tpu.memory_space<vmem>>) target(%dma_start3A_192 : memref<100096x16xf32, #tpu.memory_space<vmem_shared>>) offsets(%dma_start3A_189 : memref<128xi32, #tpu.memory_space<vmem>>) semaphore(%arg13 : memref<!tpu.dma_semaphore, #tpu.memory_space<semaphore_mem>>) {add = true}
        %dma_start3A_193 = arith.constant 1 : i32
        %dma_start3A_194 = arith.constant 1 : i32
        %dma_start3A_195 = arith.constant 3 : i32
        %dma_start3A_196 = arith.constant 384 : i32
        %dma_start3A_197 = arith.constant 0 : i32
        %dma_start3A_198 = tpu.memref_slice %arg7[%dma_start3A_193, %dma_start3A_196, %dma_start3A_197] : memref<2x512x16xf32, #tpu.memory_space<vmem>> -> memref<1x128x16xf32, #tpu.memory_space<vmem>>
        %dma_start3A_199 = tpu.memref_squeeze %dma_start3A_198 : memref<1x128x16xf32, #tpu.memory_space<vmem>> -> memref<128x16xf32, #tpu.memory_space<vmem>>
        %dma_start3A_200 = arith.constant 0 : i32
        %dma_start3A_201 = tpu.memref_slice %arg8[%dma_start3A_194, %dma_start3A_195, %dma_start3A_200] : memref<2x4x128xi32, #tpu.memory_space<vmem>> -> memref<1x1x128xi32, #tpu.memory_space<vmem>>
        %dma_start3A_202 = tpu.memref_squeeze %dma_start3A_201 : memref<1x1x128xi32, #tpu.memory_space<vmem>> -> memref<128xi32, #tpu.memory_space<vmem>>
        %dma_start3A_203 = arith.constant 0 : i32
        %dma_start3A_204 = arith.constant 0 : i32
        %dma_start3A_205 = tpu.memref_slice %arg10[%dma_start3A_203, %dma_start3A_204] : memref<100096x16xf32, #tpu.memory_space<vmem_shared>> -> memref<100096x16xf32, #tpu.memory_space<vmem_shared>>
        tpu.enqueue_indirect_dma source(%dma_start3A_199 : memref<128x16xf32, #tpu.memory_space<vmem>>) target(%dma_start3A_205 : memref<100096x16xf32, #tpu.memory_space<vmem_shared>>) offsets(%dma_start3A_202 : memref<128xi32, #tpu.memory_space<vmem>>) semaphore(%arg13 : memref<!tpu.dma_semaphore, #tpu.memory_space<semaphore_mem>>) {add = true}
        %dma_wait3A_206 = arith.constant 1 : i32
        %dma_wait3A_207 = arith.constant 1 : i32
        %dma_wait3A_208 = arith.constant 0 : i32
        %dma_wait3A_209 = arith.constant 0 : i32
        %dma_wait3A_210 = arith.constant 0 : i32
        %dma_wait3A_211 = tpu.memref_slice %arg7[%dma_wait3A_206, %dma_wait3A_209, %dma_wait3A_210] : memref<2x512x16xf32, #tpu.memory_space<vmem>> -> memref<1x128x16xf32, #tpu.memory_space<vmem>>
        %dma_wait3A_212 = tpu.memref_squeeze %dma_wait3A_211 : memref<1x128x16xf32, #tpu.memory_space<vmem>> -> memref<128x16xf32, #tpu.memory_space<vmem>>
        %dma_wait3A_213 = arith.constant 0 : i32
        %dma_wait3A_214 = tpu.memref_slice %arg8[%dma_wait3A_207, %dma_wait3A_208, %dma_wait3A_213] : memref<2x4x128xi32, #tpu.memory_space<vmem>> -> memref<1x1x128xi32, #tpu.memory_space<vmem>>
        %dma_wait3A_215 = tpu.memref_squeeze %dma_wait3A_214 : memref<1x1x128xi32, #tpu.memory_space<vmem>> -> memref<128xi32, #tpu.memory_space<vmem>>
        %dma_wait3A_216 = arith.constant 0 : i32
        %dma_wait3A_217 = arith.constant 0 : i32
        %dma_wait3A_218 = tpu.memref_slice %arg10[%dma_wait3A_216, %dma_wait3A_217] : memref<100096x16xf32, #tpu.memory_space<vmem_shared>> -> memref<100096x16xf32, #tpu.memory_space<vmem_shared>>
        tpu.wait_indirect_dma semaphore(%arg13 : memref<!tpu.dma_semaphore, #tpu.memory_space<semaphore_mem>>) src(%dma_wait3A_212 : memref<128x16xf32, #tpu.memory_space<vmem>>) dst(%dma_wait3A_218 : memref<100096x16xf32, #tpu.memory_space<vmem_shared>>)
        %dma_wait3A_219 = arith.constant 1 : i32
        %dma_wait3A_220 = arith.constant 1 : i32
        %dma_wait3A_221 = arith.constant 1 : i32
        %dma_wait3A_222 = arith.constant 128 : i32
        %dma_wait3A_223 = arith.constant 0 : i32
        %dma_wait3A_224 = tpu.memref_slice %arg7[%dma_wait3A_219, %dma_wait3A_222, %dma_wait3A_223] : memref<2x512x16xf32, #tpu.memory_space<vmem>> -> memref<1x128x16xf32, #tpu.memory_space<vmem>>
        %dma_wait3A_225 = tpu.memref_squeeze %dma_wait3A_224 : memref<1x128x16xf32, #tpu.memory_space<vmem>> -> memref<128x16xf32, #tpu.memory_space<vmem>>
        %dma_wait3A_226 = arith.constant 0 : i32
        %dma_wait3A_227 = tpu.memref_slice %arg8[%dma_wait3A_220, %dma_wait3A_221, %dma_wait3A_226] : memref<2x4x128xi32, #tpu.memory_space<vmem>> -> memref<1x1x128xi32, #tpu.memory_space<vmem>>
        %dma_wait3A_228 = tpu.memref_squeeze %dma_wait3A_227 : memref<1x1x128xi32, #tpu.memory_space<vmem>> -> memref<128xi32, #tpu.memory_space<vmem>>
        %dma_wait3A_229 = arith.constant 0 : i32
        %dma_wait3A_230 = arith.constant 0 : i32
        %dma_wait3A_231 = tpu.memref_slice %arg10[%dma_wait3A_229, %dma_wait3A_230] : memref<100096x16xf32, #tpu.memory_space<vmem_shared>> -> memref<100096x16xf32, #tpu.memory_space<vmem_shared>>
        tpu.wait_indirect_dma semaphore(%arg13 : memref<!tpu.dma_semaphore, #tpu.memory_space<semaphore_mem>>) src(%dma_wait3A_225 : memref<128x16xf32, #tpu.memory_space<vmem>>) dst(%dma_wait3A_231 : memref<100096x16xf32, #tpu.memory_space<vmem_shared>>)
        %dma_wait3A_232 = arith.constant 1 : i32
        %dma_wait3A_233 = arith.constant 1 : i32
        %dma_wait3A_234 = arith.constant 2 : i32
        %dma_wait3A_235 = arith.constant 256 : i32
        %dma_wait3A_236 = arith.constant 0 : i32
        %dma_wait3A_237 = tpu.memref_slice %arg7[%dma_wait3A_232, %dma_wait3A_235, %dma_wait3A_236] : memref<2x512x16xf32, #tpu.memory_space<vmem>> -> memref<1x128x16xf32, #tpu.memory_space<vmem>>
        %dma_wait3A_238 = tpu.memref_squeeze %dma_wait3A_237 : memref<1x128x16xf32, #tpu.memory_space<vmem>> -> memref<128x16xf32, #tpu.memory_space<vmem>>
        %dma_wait3A_239 = arith.constant 0 : i32
        %dma_wait3A_240 = tpu.memref_slice %arg8[%dma_wait3A_233, %dma_wait3A_234, %dma_wait3A_239] : memref<2x4x128xi32, #tpu.memory_space<vmem>> -> memref<1x1x128xi32, #tpu.memory_space<vmem>>
        %dma_wait3A_241 = tpu.memref_squeeze %dma_wait3A_240 : memref<1x1x128xi32, #tpu.memory_space<vmem>> -> memref<128xi32, #tpu.memory_space<vmem>>
        %dma_wait3A_242 = arith.constant 0 : i32
        %dma_wait3A_243 = arith.constant 0 : i32
        %dma_wait3A_244 = tpu.memref_slice %arg10[%dma_wait3A_242, %dma_wait3A_243] : memref<100096x16xf32, #tpu.memory_space<vmem_shared>> -> memref<100096x16xf32, #tpu.memory_space<vmem_shared>>
        tpu.wait_indirect_dma semaphore(%arg13 : memref<!tpu.dma_semaphore, #tpu.memory_space<semaphore_mem>>) src(%dma_wait3A_238 : memref<128x16xf32, #tpu.memory_space<vmem>>) dst(%dma_wait3A_244 : memref<100096x16xf32, #tpu.memory_space<vmem_shared>>)
        %dma_wait3A_245 = arith.constant 1 : i32
        %dma_wait3A_246 = arith.constant 1 : i32
        %dma_wait3A_247 = arith.constant 3 : i32
        %dma_wait3A_248 = arith.constant 384 : i32
        %dma_wait3A_249 = arith.constant 0 : i32
        %dma_wait3A_250 = tpu.memref_slice %arg7[%dma_wait3A_245, %dma_wait3A_248, %dma_wait3A_249] : memref<2x512x16xf32, #tpu.memory_space<vmem>> -> memref<1x128x16xf32, #tpu.memory_space<vmem>>
        %dma_wait3A_251 = tpu.memref_squeeze %dma_wait3A_250 : memref<1x128x16xf32, #tpu.memory_space<vmem>> -> memref<128x16xf32, #tpu.memory_space<vmem>>
        %dma_wait3A_252 = arith.constant 0 : i32
        %dma_wait3A_253 = tpu.memref_slice %arg8[%dma_wait3A_246, %dma_wait3A_247, %dma_wait3A_252] : memref<2x4x128xi32, #tpu.memory_space<vmem>> -> memref<1x1x128xi32, #tpu.memory_space<vmem>>
        %dma_wait3A_254 = tpu.memref_squeeze %dma_wait3A_253 : memref<1x1x128xi32, #tpu.memory_space<vmem>> -> memref<128xi32, #tpu.memory_space<vmem>>
        %dma_wait3A_255 = arith.constant 0 : i32
        %dma_wait3A_256 = arith.constant 0 : i32
        %dma_wait3A_257 = tpu.memref_slice %arg10[%dma_wait3A_255, %dma_wait3A_256] : memref<100096x16xf32, #tpu.memory_space<vmem_shared>> -> memref<100096x16xf32, #tpu.memory_space<vmem_shared>>
        tpu.wait_indirect_dma semaphore(%arg13 : memref<!tpu.dma_semaphore, #tpu.memory_space<semaphore_mem>>) src(%dma_wait3A_251 : memref<128x16xf32, #tpu.memory_space<vmem>>) dst(%dma_wait3A_257 : memref<100096x16xf32, #tpu.memory_space<vmem_shared>>)
        %add3A_258 = arith.constant 2 : i32
        %add3A_259 = arith.addi %add3A_110, %add3A_258 : i32
        %lt3A_260 = arith.cmpi slt, %add3A_259, %add3A_74 : i32
        %convert_element_type3A_261 = arith.extui %lt3A_260 : i1 to i32
        %cond3A_262 = arith.constant 0 : i32
        %cond3A_263 = arith.cmpi ne, %convert_element_type3A_261, %cond3A_262 : i32
        scf.if %cond3A_263 {
          %add3A_264 = arith.constant 2 : i32
          %add3A_265 = arith.addi %add3A_110, %add3A_264 : i32
          %mul3A_266 = arith.constant 16 : i32
          %mul3A_267 = arith.muli %add3A_265, %mul3A_266 : i32
          %add3A_268 = arith.addi %arg1, %mul3A_267 : i32
          %dma_start3A_269 = arith.constant 1 : i32
          %dma_start3A_270 = arith.constant 1 : i32
          %dma_start3A_271 = arith.constant 0 : i32
          %dma_start3A_272 = arith.constant 0 : i32
          %dma_start3A_273 = tpu.memref_slice %arg8[%dma_start3A_269, %dma_start3A_271, %dma_start3A_272] : memref<2x4x128xi32, #tpu.memory_space<vmem>> -> memref<1x4x128xi32, #tpu.memory_space<vmem>>
          %dma_start3A_274 = tpu.memref_squeeze %dma_start3A_273 : memref<1x4x128xi32, #tpu.memory_space<vmem>> -> memref<4x128xi32, #tpu.memory_space<vmem>>
          %dma_start3A_275 = arith.constant 0 : i32
          %dma_start3A_276 = arith.constant 0 : i32
          %dma_start3A_277 = tpu.memref_slice %arg4[%add3A_268, %dma_start3A_275, %dma_start3A_276] : memref<3125x4x128xi32, #tpu.memory_space<hbm>> -> memref<1x4x128xi32, #tpu.memory_space<hbm>>
          %dma_start3A_278 = tpu.memref_squeeze %dma_start3A_277 : memref<1x4x128xi32, #tpu.memory_space<hbm>> -> memref<4x128xi32, #tpu.memory_space<hbm>>
          %dma_start3A_279 = tpu.memref_slice %arg11[%dma_start3A_270] : memref<2x!tpu.dma_semaphore, #tpu.memory_space<semaphore_mem>> -> memref<1x!tpu.dma_semaphore, #tpu.memory_space<semaphore_mem>>
          %dma_start3A_280 = tpu.memref_squeeze %dma_start3A_279 : memref<1x!tpu.dma_semaphore, #tpu.memory_space<semaphore_mem>> -> memref<!tpu.dma_semaphore, #tpu.memory_space<semaphore_mem>>
          %dma_start3A_281 = arith.constant 0 : i32
          %dma_start3A_282 = arith.constant 0 : i32
          %dma_start3A_283 = tpu.memref_slice %arg8[%dma_start3A_269, %dma_start3A_281, %dma_start3A_282] : memref<2x4x128xi32, #tpu.memory_space<vmem>> -> memref<1x4x128xi32, #tpu.memory_space<vmem>>
          %dma_start3A_284 = tpu.memref_squeeze %dma_start3A_283 : memref<1x4x128xi32, #tpu.memory_space<vmem>> -> memref<4x128xi32, #tpu.memory_space<vmem>>
          %dma_start3A_285 = arith.constant 0 : i32
          %dma_start3A_286 = arith.constant 0 : i32
          %dma_start3A_287 = tpu.memref_slice %arg4[%add3A_268, %dma_start3A_285, %dma_start3A_286] : memref<3125x4x128xi32, #tpu.memory_space<hbm>> -> memref<1x4x128xi32, #tpu.memory_space<hbm>>
          %dma_start3A_288 = tpu.memref_squeeze %dma_start3A_287 : memref<1x4x128xi32, #tpu.memory_space<hbm>> -> memref<4x128xi32, #tpu.memory_space<hbm>>
          tpu.enqueue_dma source(%dma_start3A_288 : memref<4x128xi32, #tpu.memory_space<hbm>>) target(%dma_start3A_284 : memref<4x128xi32, #tpu.memory_space<vmem>>) target_semaphore(%dma_start3A_280 : memref<!tpu.dma_semaphore, #tpu.memory_space<semaphore_mem>>)
          %eq3A_289 = arith.constant 0 : i32
          %eq3A_290 = arith.cmpi eq, %arg0, %eq3A_289 : i32
          %convert_element_type3A_291 = arith.extui %eq3A_290 : i1 to i32
          %cond3A_292 = arith.constant 0 : i32
          %cond3A_293 = arith.cmpi ne, %convert_element_type3A_291, %cond3A_292 : i32
          scf.if %cond3A_293 {
            %mul3A_299 = arith.constant 512 : i32
            %mul3A_300 = arith.muli %add3A_268, %mul3A_299 : i32
            %dma_start3A_301 = arith.constant 1 : i32
            %dma_start3A_302 = arith.constant 1 : i32
            %dma_start3A_303 = arith.constant 0 : i32
            %dma_start3A_304 = arith.constant 0 : i32
            %dma_start3A_305 = tpu.memref_slice %arg7[%dma_start3A_301, %dma_start3A_303, %dma_start3A_304] : memref<2x512x16xf32, #tpu.memory_space<vmem>> -> memref<1x512x16xf32, #tpu.memory_space<vmem>>
            %dma_start3A_306 = tpu.memref_squeeze %dma_start3A_305 : memref<1x512x16xf32, #tpu.memory_space<vmem>> -> memref<512x16xf32, #tpu.memory_space<vmem>>
            %dma_start3A_307 = arith.constant 0 : i32
            %dma_start3A_308 = tpu.memref_slice %arg2[%mul3A_300, %dma_start3A_307] : memref<1600000x16xf32, #tpu.memory_space<hbm>> -> memref<512x16xf32, #tpu.memory_space<hbm>>
            %dma_start3A_309 = tpu.memref_slice %arg12[%dma_start3A_302] : memref<2x!tpu.dma_semaphore, #tpu.memory_space<semaphore_mem>> -> memref<1x!tpu.dma_semaphore, #tpu.memory_space<semaphore_mem>>
            %dma_start3A_310 = tpu.memref_squeeze %dma_start3A_309 : memref<1x!tpu.dma_semaphore, #tpu.memory_space<semaphore_mem>> -> memref<!tpu.dma_semaphore, #tpu.memory_space<semaphore_mem>>
            %dma_start3A_311 = arith.constant 0 : i32
            %dma_start3A_312 = arith.constant 0 : i32
            %dma_start3A_313 = tpu.memref_slice %arg7[%dma_start3A_301, %dma_start3A_311, %dma_start3A_312] : memref<2x512x16xf32, #tpu.memory_space<vmem>> -> memref<1x512x16xf32, #tpu.memory_space<vmem>>
            %dma_start3A_314 = tpu.memref_squeeze %dma_start3A_313 : memref<1x512x16xf32, #tpu.memory_space<vmem>> -> memref<512x16xf32, #tpu.memory_space<vmem>>
            %dma_start3A_315 = arith.constant 0 : i32
            %dma_start3A_316 = tpu.memref_slice %arg2[%mul3A_300, %dma_start3A_315] : memref<1600000x16xf32, #tpu.memory_space<hbm>> -> memref<512x16xf32, #tpu.memory_space<hbm>>
            tpu.enqueue_dma source(%dma_start3A_316 : memref<512x16xf32, #tpu.memory_space<hbm>>) target(%dma_start3A_314 : memref<512x16xf32, #tpu.memory_space<vmem>>) target_semaphore(%dma_start3A_310 : memref<!tpu.dma_semaphore, #tpu.memory_space<semaphore_mem>>)
          } else {
          }
          %eq3A_294 = arith.constant 1 : i32
          %eq3A_295 = arith.cmpi eq, %arg0, %eq3A_294 : i32
          %convert_element_type3A_296 = arith.extui %eq3A_295 : i1 to i32
          %cond3A_297 = arith.constant 0 : i32
          %cond3A_298 = arith.cmpi ne, %convert_element_type3A_296, %cond3A_297 : i32
          scf.if %cond3A_298 {
            %mul3A_299 = arith.constant 512 : i32
            %mul3A_300 = arith.muli %add3A_268, %mul3A_299 : i32
            %dma_start3A_301 = arith.constant 1 : i32
            %dma_start3A_302 = arith.constant 1 : i32
            %dma_start3A_303 = arith.constant 0 : i32
            %dma_start3A_304 = arith.constant 0 : i32
            %dma_start3A_305 = tpu.memref_slice %arg7[%dma_start3A_301, %dma_start3A_303, %dma_start3A_304] : memref<2x512x16xf32, #tpu.memory_space<vmem>> -> memref<1x512x16xf32, #tpu.memory_space<vmem>>
            %dma_start3A_306 = tpu.memref_squeeze %dma_start3A_305 : memref<1x512x16xf32, #tpu.memory_space<vmem>> -> memref<512x16xf32, #tpu.memory_space<vmem>>
            %dma_start3A_307 = arith.constant 0 : i32
            %dma_start3A_308 = tpu.memref_slice %arg3[%mul3A_300, %dma_start3A_307] : memref<1600000x16xf32, #tpu.memory_space<hbm>> -> memref<512x16xf32, #tpu.memory_space<hbm>>
            %dma_start3A_309 = tpu.memref_slice %arg12[%dma_start3A_302] : memref<2x!tpu.dma_semaphore, #tpu.memory_space<semaphore_mem>> -> memref<1x!tpu.dma_semaphore, #tpu.memory_space<semaphore_mem>>
            %dma_start3A_310 = tpu.memref_squeeze %dma_start3A_309 : memref<1x!tpu.dma_semaphore, #tpu.memory_space<semaphore_mem>> -> memref<!tpu.dma_semaphore, #tpu.memory_space<semaphore_mem>>
            %dma_start3A_311 = arith.constant 0 : i32
            %dma_start3A_312 = arith.constant 0 : i32
            %dma_start3A_313 = tpu.memref_slice %arg7[%dma_start3A_301, %dma_start3A_311, %dma_start3A_312] : memref<2x512x16xf32, #tpu.memory_space<vmem>> -> memref<1x512x16xf32, #tpu.memory_space<vmem>>
            %dma_start3A_314 = tpu.memref_squeeze %dma_start3A_313 : memref<1x512x16xf32, #tpu.memory_space<vmem>> -> memref<512x16xf32, #tpu.memory_space<vmem>>
            %dma_start3A_315 = arith.constant 0 : i32
            %dma_start3A_316 = tpu.memref_slice %arg3[%mul3A_300, %dma_start3A_315] : memref<1600000x16xf32, #tpu.memory_space<hbm>> -> memref<512x16xf32, #tpu.memory_space<hbm>>
            tpu.enqueue_dma source(%dma_start3A_316 : memref<512x16xf32, #tpu.memory_space<hbm>>) target(%dma_start3A_314 : memref<512x16xf32, #tpu.memory_space<vmem>>) target_semaphore(%dma_start3A_310 : memref<!tpu.dma_semaphore, #tpu.memory_space<semaphore_mem>>)
          } else {
          }
        } else {
        }
      } else {
      }
    }
    %scan3A_87 = arith.constant 98 : i32
    %barrier3A_88 = arith.constant 0 : index
    tpu.barrier barrier_id(%barrier3A_88)
    %eq3A = arith.constant 0 : i32
    %eq3A_89 = arith.cmpi eq, %arg0, %eq3A : i32
    %convert_element_type3A_90 = arith.extui %eq3A_89 : i1 to i32
    %cond3A_91 = arith.constant 0 : i32
    %cond3A_92 = arith.cmpi ne, %convert_element_type3A_90, %cond3A_91 : i32
    scf.if %cond3A_92 {
      %mul3A_98 = arith.constant 6256 : i32
      %mul3A_99 = arith.muli %arg1, %mul3A_98 : i32
      %mul3A_100 = arith.constant 6256 : i32
      %mul3A_101 = arith.muli %arg1, %mul3A_100 : i32
      "tpu.region"() ({
        %run_scoped3A = tpu.sem_alloc : memref<!tpu.dma_semaphore, #tpu.memory_space<semaphore_mem>>
        %dma_start3A = arith.constant 0 : i32
        %dma_start3A_102 = tpu.memref_slice %arg5[%mul3A_101, %dma_start3A] : memref<100096x16xf32, #tpu.memory_space<hbm>> -> memref<6256x16xf32, #tpu.memory_space<hbm>>
        %dma_start3A_103 = arith.constant 0 : i32
        %dma_start3A_104 = tpu.memref_slice %arg10[%mul3A_99, %dma_start3A_103] : memref<100096x16xf32, #tpu.memory_space<vmem_shared>> -> memref<6256x16xf32, #tpu.memory_space<vmem_shared>>
        tpu.enqueue_dma source(%dma_start3A_104 : memref<6256x16xf32, #tpu.memory_space<vmem_shared>>) target(%dma_start3A_102 : memref<6256x16xf32, #tpu.memory_space<hbm>>) target_semaphore(%run_scoped3A : memref<!tpu.dma_semaphore, #tpu.memory_space<semaphore_mem>>)
        %dma_wait3A = arith.constant 0 : i32
        %dma_wait3A_105 = tpu.memref_slice %arg5[%mul3A_101, %dma_wait3A] : memref<100096x16xf32, #tpu.memory_space<hbm>> -> memref<6256x16xf32, #tpu.memory_space<hbm>>
        %dma_wait3A_106 = arith.constant 0 : i32
        %dma_wait3A_107 = tpu.memref_slice %arg10[%mul3A_99, %dma_wait3A_106] : memref<100096x16xf32, #tpu.memory_space<vmem_shared>> -> memref<6256x16xf32, #tpu.memory_space<vmem_shared>>
        tpu.wait_dma2 semaphore(%run_scoped3A : memref<!tpu.dma_semaphore, #tpu.memory_space<semaphore_mem>>) src(%dma_wait3A_107 : memref<6256x16xf32, #tpu.memory_space<vmem_shared>>) dst(%dma_wait3A_105 : memref<6256x16xf32, #tpu.memory_space<hbm>>)
        tpu.yield
      }) : () -> ()
    } else {
    }
    %eq3A_93 = arith.constant 1 : i32
    %eq3A_94 = arith.cmpi eq, %arg0, %eq3A_93 : i32
    %convert_element_type3A_95 = arith.extui %eq3A_94 : i1 to i32
    %cond3A_96 = arith.constant 0 : i32
    %cond3A_97 = arith.cmpi ne, %convert_element_type3A_95, %cond3A_96 : i32
    scf.if %cond3A_97 {
      %mul3A_98 = arith.constant 6256 : i32
      %mul3A_99 = arith.muli %arg1, %mul3A_98 : i32
      %mul3A_100 = arith.constant 6256 : i32
      %mul3A_101 = arith.muli %arg1, %mul3A_100 : i32
      "tpu.region"() ({
        %run_scoped3A = tpu.sem_alloc : memref<!tpu.dma_semaphore, #tpu.memory_space<semaphore_mem>>
        %dma_start3A = arith.constant 0 : i32
        %dma_start3A_102 = tpu.memref_slice %arg6[%mul3A_101, %dma_start3A] : memref<100096x16xf32, #tpu.memory_space<hbm>> -> memref<6256x16xf32, #tpu.memory_space<hbm>>
        %dma_start3A_103 = arith.constant 0 : i32
        %dma_start3A_104 = tpu.memref_slice %arg10[%mul3A_99, %dma_start3A_103] : memref<100096x16xf32, #tpu.memory_space<vmem_shared>> -> memref<6256x16xf32, #tpu.memory_space<vmem_shared>>
        tpu.enqueue_dma source(%dma_start3A_104 : memref<6256x16xf32, #tpu.memory_space<vmem_shared>>) target(%dma_start3A_102 : memref<6256x16xf32, #tpu.memory_space<hbm>>) target_semaphore(%run_scoped3A : memref<!tpu.dma_semaphore, #tpu.memory_space<semaphore_mem>>)
        %dma_wait3A = arith.constant 0 : i32
        %dma_wait3A_105 = tpu.memref_slice %arg6[%mul3A_101, %dma_wait3A] : memref<100096x16xf32, #tpu.memory_space<hbm>> -> memref<6256x16xf32, #tpu.memory_space<hbm>>
        %dma_wait3A_106 = arith.constant 0 : i32
        %dma_wait3A_107 = tpu.memref_slice %arg10[%mul3A_99, %dma_wait3A_106] : memref<100096x16xf32, #tpu.memory_space<vmem_shared>> -> memref<6256x16xf32, #tpu.memory_space<vmem_shared>>
        tpu.wait_dma2 semaphore(%run_scoped3A : memref<!tpu.dma_semaphore, #tpu.memory_space<semaphore_mem>>) src(%dma_wait3A_107 : memref<6256x16xf32, #tpu.memory_space<vmem_shared>>) dst(%dma_wait3A_105 : memref<6256x16xf32, #tpu.memory_space<hbm>>)
        tpu.yield
      }) : () -> ()
    } else {
    }
    return
  }
}

module attributes {stable_mosaic.version = 14 : i64} {
  func.func @_mlp_body(%arg0: i32, %arg1: memref<2000x128xf32, #tpu.memory_space<vmem>>, %arg2: memref<128x256xf32, #tpu.memory_space<vmem>>, %arg3: memref<1x256xf32, #tpu.memory_space<vmem>>, %arg4: memref<2000x128xf32, #tpu.memory_space<vmem>>, %arg5: memref<2000x128xf32, #tpu.memory_space<vmem>>) attributes {dimension_semantics = [#tpu.dimension_semantics<arbitrary>], iteration_bounds = array<i64: 100>, scalar_prefetch = 0 : i64, scratch_operands = 0 : i64, tpu.core_type = #tpu.core_type<tc>, window_params = [{transform_indices = @transform_0, window_bounds = array<i64: 2000, 128>}, {pipeline_mode = #tpu.pipeline_mode<synchronous>, transform_indices = @transform_1, window_bounds = array<i64: 128, 256>}, {pipeline_mode = #tpu.pipeline_mode<synchronous>, transform_indices = @transform_2, window_bounds = array<i64: 1, 256>}, {transform_indices = @transform_3, window_bounds = array<i64: 2000, 128>}, {transform_indices = @transform_4, window_bounds = array<i64: 2000, 128>}]} {
    %get3A = arith.constant 0 : index
    %get3A_0 = arith.constant 0 : index
    %get3A_1 = vector.load %arg1[%get3A, %get3A_0] : memref<2000x128xf32, #tpu.memory_space<vmem>>, vector<2000x128xf32>
    %get3A_2 = arith.constant 0 : index
    %get3A_3 = arith.constant 0 : index
    %get3A_4 = vector.load %arg2[%get3A_2, %get3A_3] : memref<128x256xf32, #tpu.memory_space<vmem>>, vector<128x256xf32>
    %dot_general3A = arith.constant dense<0.000000e+00> : vector<2000x256xf32>
    %dot_general3A_5 = tpu.matmul %get3A_1, %get3A_4, %dot_general3A {dimension_numbers = #tpu.dot_dimension_numbers<[1], [0], [0], [1], [0, 0, 1, 1], [], []>, transpose_lhs_hint = false} : vector<2000x128xf32>, vector<128x256xf32>, vector<2000x256xf32> -> vector<2000x256xf32>
    %get3A_6 = arith.constant 0 : index
    %get3A_7 = arith.constant 0 : index
    %get3A_8 = vector.load %arg3[%get3A_6, %get3A_7] : memref<1x256xf32, #tpu.memory_space<vmem>>, vector<1x256xf32>
    %add3A = vector.broadcast %get3A_8 : vector<1x256xf32> to vector<2000x256xf32>
    %add3A_9 = arith.addf %dot_general3A_5, %add3A : vector<2000x256xf32>
    %max3A = arith.constant 0.000000e+00 : f32
    %max3A_10 = vector.broadcast %max3A : f32 to vector<2000x256xf32>
    %max3A_11 = arith.maximumf %add3A_9, %max3A_10 : vector<2000x256xf32>
    %slice3A = vector.extract_strided_slice %max3A_11 {offsets = [0, 0], sizes = [2000, 128], strides = [1, 1]} : vector<2000x256xf32> to vector<2000x128xf32>
    %swap3A = arith.constant 0 : index
    %swap3A_12 = arith.constant 0 : index
    %swap3A_13 = vector.load %arg4[%swap3A, %swap3A_12] : memref<2000x128xf32, #tpu.memory_space<vmem>>, vector<2000x128xf32>
    tpu.vector_store %arg4[%swap3A, %swap3A_12], %slice3A {strides = array<i32>} : memref<2000x128xf32, #tpu.memory_space<vmem>>, vector<2000x128xf32>,
    %slice3A_14 = vector.extract_strided_slice %max3A_11 {offsets = [0, 128], sizes = [2000, 128], strides = [1, 1]} : vector<2000x256xf32> to vector<2000x128xf32>
    %swap3A_15 = arith.constant 0 : index
    %swap3A_16 = arith.constant 0 : index
    %swap3A_17 = vector.load %arg5[%swap3A_15, %swap3A_16] : memref<2000x128xf32, #tpu.memory_space<vmem>>, vector<2000x128xf32>
    tpu.vector_store %arg5[%swap3A_15, %swap3A_16], %slice3A_14 {strides = array<i32>} : memref<2000x128xf32, #tpu.memory_space<vmem>>, vector<2000x128xf32>,
    return
  }
  func.func @transform_0(%arg0: i32) -> (i32, i32) {
    %c0_i32 = arith.constant 0 : i32
    %c0_i32_0 = arith.constant 0 : i32
    return %arg0, %c0_i32 : i32, i32
  }
  func.func @transform_1(%arg0: i32) -> (i32, i32) {
    %c0_i32 = arith.constant 0 : i32
    %c0_i32_0 = arith.constant 0 : i32
    %c0_i32_1 = arith.constant 0 : i32
    return %c0_i32, %c0_i32_0 : i32, i32
  }
  func.func @transform_2(%arg0: i32) -> (i32, i32) {
    %c0_i32 = arith.constant 0 : i32
    %c0_i32_0 = arith.constant 0 : i32
    %c0_i32_1 = arith.constant 0 : i32
    return %c0_i32, %c0_i32_0 : i32, i32
  }
  func.func @transform_3(%arg0: i32) -> (i32, i32) {
    %c0_i32 = arith.constant 0 : i32
    %c0_i32_0 = arith.constant 0 : i32
    return %arg0, %c0_i32 : i32, i32
  }
  func.func @transform_4(%arg0: i32) -> (i32, i32) {
    %c0_i32 = arith.constant 0 : i32
    %c0_i32_0 = arith.constant 0 : i32
    return %arg0, %c0_i32 : i32, i32
  }
}

module attributes {stable_mosaic.version = 14 : i64} {
  func.func @_out_body(%arg0: i32, %arg1: memref<736x128xf32, #tpu.memory_space<vmem>>, %arg2: memref<736x128xf32, #tpu.memory_space<vmem>>, %arg3: memref<128x256xf32, #tpu.memory_space<vmem>>, %arg4: memref<128x256xf32, #tpu.memory_space<vmem>>, %arg5: memref<128x256xf32, #tpu.memory_space<vmem>>, %arg6: memref<1x256xf32, #tpu.memory_space<vmem>>, %arg7: memref<736x256xf32, #tpu.memory_space<vmem>>) attributes {dimension_semantics = [#tpu.dimension_semantics<arbitrary>], iteration_bounds = array<i64: 17>, scalar_prefetch = 0 : i64, scratch_operands = 0 : i64, tpu.core_type = #tpu.core_type<tc>, window_params = [{transform_indices = @transform_0, window_bounds = array<i64: 736, 128>}, {transform_indices = @transform_1, window_bounds = array<i64: 736, 128>}, {pipeline_mode = #tpu.pipeline_mode<synchronous>, transform_indices = @transform_2, window_bounds = array<i64: 128, 256>}, {pipeline_mode = #tpu.pipeline_mode<synchronous>, transform_indices = @transform_3, window_bounds = array<i64: 128, 256>}, {pipeline_mode = #tpu.pipeline_mode<synchronous>, transform_indices = @transform_4, window_bounds = array<i64: 128, 256>}, {pipeline_mode = #tpu.pipeline_mode<synchronous>, transform_indices = @transform_5, window_bounds = array<i64: 1, 256>}, {transform_indices = @transform_6, window_bounds = array<i64: 736, 256>}]} {
    %get3A = arith.constant 0 : index
    %get3A_0 = arith.constant 0 : index
    %get3A_1 = vector.load %arg1[%get3A, %get3A_0] : memref<736x128xf32, #tpu.memory_space<vmem>>, vector<736x128xf32>
    %get3A_2 = arith.constant 0 : index
    %get3A_3 = arith.constant 0 : index
    %get3A_4 = vector.load %arg2[%get3A_2, %get3A_3] : memref<736x128xf32, #tpu.memory_space<vmem>>, vector<736x128xf32>
    %get3A_5 = arith.constant 0 : index
    %get3A_6 = arith.constant 0 : index
    %get3A_7 = vector.load %arg3[%get3A_5, %get3A_6] : memref<128x256xf32, #tpu.memory_space<vmem>>, vector<128x256xf32>
    %dot_general3A = arith.constant dense<0.000000e+00> : vector<736x256xf32>
    %dot_general3A_8 = tpu.matmul %get3A_1, %get3A_7, %dot_general3A {dimension_numbers = #tpu.dot_dimension_numbers<[1], [0], [0], [1], [0, 0, 1, 1], [], []>, precision = #tpu.contract_precision<fp32>, transpose_lhs_hint = false} : vector<736x128xf32>, vector<128x256xf32>, vector<736x256xf32> -> vector<736x256xf32>
    %get3A_9 = arith.constant 0 : index
    %get3A_10 = arith.constant 0 : index
    %get3A_11 = vector.load %arg4[%get3A_9, %get3A_10] : memref<128x256xf32, #tpu.memory_space<vmem>>, vector<128x256xf32>
    %dot_general3A_12 = arith.constant dense<0.000000e+00> : vector<736x256xf32>
    %dot_general3A_13 = tpu.matmul %get3A_4, %get3A_11, %dot_general3A_12 {dimension_numbers = #tpu.dot_dimension_numbers<[1], [0], [0], [1], [0, 0, 1, 1], [], []>, precision = #tpu.contract_precision<fp32>, transpose_lhs_hint = false} : vector<736x128xf32>, vector<128x256xf32>, vector<736x256xf32> -> vector<736x256xf32>
    %add3A = arith.addf %dot_general3A_8, %dot_general3A_13 : vector<736x256xf32>
    %get3A_14 = arith.constant 0 : index
    %get3A_15 = arith.constant 0 : index
    %get3A_16 = vector.load %arg5[%get3A_14, %get3A_15] : memref<128x256xf32, #tpu.memory_space<vmem>>, vector<128x256xf32>
    %dot_general3A_17 = arith.constant dense<0.000000e+00> : vector<736x256xf32>
    %dot_general3A_18 = tpu.matmul %get3A_4, %get3A_16, %dot_general3A_17 {dimension_numbers = #tpu.dot_dimension_numbers<[1], [0], [0], [1], [0, 0, 1, 1], [], []>, transpose_lhs_hint = false} : vector<736x128xf32>, vector<128x256xf32>, vector<736x256xf32> -> vector<736x256xf32>
    %max3A = arith.constant 1.000000e+00 : f32
    %max3A_19 = vector.broadcast %max3A : f32 to vector<736x256xf32>
    %max3A_20 = arith.maximumf %dot_general3A_18, %max3A_19 : vector<736x256xf32>
    %div3A = arith.divf %add3A, %max3A_20 : vector<736x256xf32>
    %get3A_21 = arith.constant 0 : index
    %get3A_22 = arith.constant 0 : index
    %get3A_23 = vector.load %arg6[%get3A_21, %get3A_22] : memref<1x256xf32, #tpu.memory_space<vmem>>, vector<1x256xf32>
    %add3A_24 = vector.broadcast %get3A_23 : vector<1x256xf32> to vector<736x256xf32>
    %add3A_25 = arith.addf %div3A, %add3A_24 : vector<736x256xf32>
    %gt3A = arith.constant 0.000000e+00 : f32
    %gt3A_26 = vector.broadcast %gt3A : f32 to vector<736x256xf32>
    %gt3A_27 = arith.cmpf ogt, %add3A_25, %gt3A_26 : vector<736x256xf32>
    %min3A = arith.constant 0.000000e+00 : f32
    %min3A_28 = vector.broadcast %min3A : f32 to vector<736x256xf32>
    %min3A_29 = arith.minimumf %add3A_25, %min3A_28 : vector<736x256xf32>
    %exp3A = math.exp %min3A_29 : vector<736x256xf32>
    %sub3A = arith.constant 1.000000e+00 : f32
    %sub3A_30 = vector.broadcast %sub3A : f32 to vector<736x256xf32>
    %sub3A_31 = arith.subf %exp3A, %sub3A_30 : vector<736x256xf32>
    %select_n3A = arith.select %gt3A_27, %add3A_25, %sub3A_31 : vector<736x256xi1>, vector<736x256xf32>
    %swap3A = arith.constant 0 : index
    %swap3A_32 = arith.constant 0 : index
    %swap3A_33 = vector.load %arg7[%swap3A, %swap3A_32] : memref<736x256xf32, #tpu.memory_space<vmem>>, vector<736x256xf32>
    tpu.vector_store %arg7[%swap3A, %swap3A_32], %select_n3A {strides = array<i32>} : memref<736x256xf32, #tpu.memory_space<vmem>>, vector<736x256xf32>,
    return
  }
  func.func @transform_0(%arg0: i32) -> (i32, i32) {
    %c0_i32 = arith.constant 0 : i32
    %c0_i32_0 = arith.constant 0 : i32
    return %arg0, %c0_i32 : i32, i32
  }
  func.func @transform_1(%arg0: i32) -> (i32, i32) {
    %c0_i32 = arith.constant 0 : i32
    %c0_i32_0 = arith.constant 0 : i32
    return %arg0, %c0_i32 : i32, i32
  }
  func.func @transform_2(%arg0: i32) -> (i32, i32) {
    %c0_i32 = arith.constant 0 : i32
    %c0_i32_0 = arith.constant 0 : i32
    %c0_i32_1 = arith.constant 0 : i32
    return %c0_i32, %c0_i32_0 : i32, i32
  }
  func.func @transform_3(%arg0: i32) -> (i32, i32) {
    %c0_i32 = arith.constant 0 : i32
    %c0_i32_0 = arith.constant 0 : i32
    %c0_i32_1 = arith.constant 0 : i32
    return %c0_i32, %c0_i32_0 : i32, i32
  }
  func.func @transform_4(%arg0: i32) -> (i32, i32) {
    %c0_i32 = arith.constant 0 : i32
    %c0_i32_0 = arith.constant 0 : i32
    %c0_i32_1 = arith.constant 0 : i32
    return %c0_i32, %c0_i32_0 : i32, i32
  }
  func.func @transform_5(%arg0: i32) -> (i32, i32) {
    %c0_i32 = arith.constant 0 : i32
    %c0_i32_0 = arith.constant 0 : i32
    %c0_i32_1 = arith.constant 0 : i32
    return %c0_i32, %c0_i32_0 : i32, i32
  }
  func.func @transform_6(%arg0: i32) -> (i32, i32) {
    %c0_i32 = arith.constant 0 : i32
    %c0_i32_0 = arith.constant 0 : i32
    return %arg0, %c0_i32 : i32, i32
  }
}

</mosaic_0001>

<sc_bundles>
// kernel: kernel.5.cloned.1.call-start
scs
__scs_entry_jumppad:
0x0: {  	(pc) =	sbr.rel $0x88, $3  }
0x1: {  	(tag) =	ssettag $0x0;
	lr =	simm.s32 $0x1  }
0x2: {  	[smem:$0x3F99] =	sst lr;
	_ =	strace $0xD0000000  }
0x3: {  	_ = 	snop  }
0x4: {  	_ = 	snop  }
0x5: {  	_ = 	snop  }
0x6: {  	_ = 	snop  }
0x7: {  	_ = 	snop  }
__scs_overlays_trampoline_lowered:
0x8: {  	[smem:$0x3FA8] =	sst s0  }
0x9: {  	[smem:$0x3FA9] =	sst s1  }
0xa: {  	[smem:$0x3FAA] =	sst s2  }
0xb: {  	[smem:$0x3FAB] =	sst s3  }
0xc: {  	[smem:$0x3FAC] =	sst s4  }
0xd: {  	[smem:$0x3FAD] =	sst s5  }
0xe: {  	[smem:$0x3FAE] =	sst s6  }
0xf: {  	[smem:$0x3FAF] =	sst s7  }
0x10: {  	[smem:$0x3FB0] =	sst s8  }
0x11: {  	[smem:$0x3FB1] =	sst s9;
	s0 =	simm.s32 @!p0 $0x0  }
0x12: {  	s1 =	sld [smem:$0x3F97];
	s0 =	simm.s32 @p0 $0x1  }
0x13: {  	[smem:$0x3FB2] =	sst s0;
	s0 =	simm.s32 @!p1 $0x0  }
0x14: {  	s2 =	sld [smem:$0x3F96];
	s0 =	simm.s32 @p1 $0x1  }
0x15: {  	[smem:$0x3FB3] =	sst s0;
	s0 =	simm.s32 @!p2 $0x0  }
0x16: {  	s3 =	sld [smem:$0x3FDB];
	s0 =	simm.s32 @p2 $0x1  }
0x17: {  	s4 =	simm.s32 $0x1BF5;
	[smem:$0x3FB5] =	sst s0  }
0x18: {  	s0 =	sld [smem:$0x3F98];
	_ =	swait.ge [sflag:s4], $0x0  }
0x19: {  	s7 =	sld [smem:$0x3F99]  }
0x1a: {  	s8 =	sadd.s32 $0xFFFFE003, lr  }
0x1b: {  	s9 =	sadd.s32 $0xFFFFFEF7, lr;
	s5 =	simm.s32 $0xFFFFFFFF;
	p2 =	slt.u32 s8, $0xFFFFF086  }
0x1c: {  	p1 =	slt.u32 s9, $0xF7A;
	s5 =	simm.s32 @!p2 $0x0  }
0x1d: {  	s5 =	simm.s32 @p1 $0x1;
	p0 =	seq.s32 s7, s2  }
0x1e: {  	s7 =	smul.u32 @!p0 $0xF7A, s2;
	p2 =	seq.s32 @!p0 s5, $0x0  }
0x1f: {  	s9 =	smul.u32 $0xF7A, s1;
	s8 =	simm.s32 @!p0 $0x1BF5;
	p2 =	por !p2, p0  }
0x20: {  	[sflag:s8] =	ssyncset.s32 @!p0 $0xFFFFF086;
	s6 =	sadd.s32 @!p0 s3, s7;
	s7 =	simm.s32 @!p0 $0x108  }
0x21: {  	s3 =	sadd.s32 s3, s9;
	s6 =	sadd.s32 @!p0 $0x88, s6;
	s7 =	simm.s32 @p2 $0x1082  }
0x22: {  	[simem:s7], [sflag:s8] =	dma.local @!p0 [hbm:s6], $0xF7A  }
0x23: {  	s9 =	sor.u32 $0xD0000000, s2;
	s6 =	simm.s32 $0x108;
	_ =	swait.ge @!p0 [sflag:s8], $0x0  }
0x24: {  	s3 =	sadd.s32 $0x88, s3;
	s6 =	simm.s32 @!p1 $0x1082;
	[sflag:s4] =	ssyncset.s32 $0xFFFFF086  }
0x25: {  	[simem:s6], [sflag:s4] =	dma.local [hbm:s3], $0xF7A  }
0x26: {  	[smem:$0x3F99] =	sst s1;
	(tag) =	ssettag s2;
	_ =	strace s9  }
0x27: {  	s1 =	sld [smem:$0x3FA9]  }
0x28: {  	s2 =	sld [smem:$0x3FAA]  }
0x29: {  	s4 =	sld [smem:$0x3FAC]  }
0x2a: {  	p0 =	seq.s32 s5, $0x0;
	s5 =	sld [smem:$0x3FAD]  }
0x2b: {  	s6 =	sld [smem:$0x3FAE]  }
0x2c: {  	s7 =	sld [smem:$0x3FAF]  }
0x2d: {  	s3 =	simm.s32 $0x108;
	s8 =	sld [smem:$0x3FB0]  }
0x2e: {  	s3 =	simm.s32 @!p0 $0x1082;
	s9 =	sld [smem:$0x3FB1]  }
0x2f: {  	lr =	sadd.s32 s0, s3;
	s0 =	sld [smem:$0x3FA8]  }
0x30: {  	s3 =	sld [smem:$0x3FAB]  }
0x31: {  	[smem:$0x3FB4] =	sst s10  }
0x32: {  	s10 =	sld [smem:$0x3FB2];
	_ =	sdelay $0x3  }
0x33: {  	p0 =	seq.s32 s10, $0x1;
	s10 =	sld [smem:$0x3FB4];
	_ =	sdelay $0x3  }
0x34: {  	[smem:$0x3FB4] =	sst s10  }
0x35: {  	s10 =	sld [smem:$0x3FB3];
	_ =	sdelay $0x3  }
0x36: {  	p1 =	seq.s32 s10, $0x1;
	s10 =	sld [smem:$0x3FB4];
	_ =	sdelay $0x3  }
0x37: {  	[smem:$0x3FB4] =	sst s10  }
0x38: {  	s10 =	sld [smem:$0x3FB5]  }
0x39: {  	_ = 	snop;
	(pc) =	sbr.ind lr, $3  }
0x3a: {  	_ = 	snop  }
0x3b: {  	_ = 	snop  }
0x3c: {  	p2 =	seq.s32 s10, $0x1;
	s10 =	sld [smem:$0x3FB4]  }
0x3d: {  	_ =	shalt  }
0x3e: {  	_ =	shalt  }
0x3f: {  	_ =	shalt  }
0x40: {  	_ =	shalt  }
0x41: {  	_ =	shalt  }
0x42: {  	_ =	shalt  }
0x43: {  	_ =	shalt  }
0x44: {  	_ =	shalt  }
0x45: {  	_ =	shalt  }
0x46: {  	_ =	shalt  }
0x47: {  	_ =	shalt  }
0x48: {  	_ =	shalt  }
0x49: {  	_ =	shalt  }
0x4a: {  	_ =	shalt  }
0x4b: {  	_ =	shalt  }
0x4c: {  	_ =	shalt  }
0x4d: {  	_ =	shalt  }
0x4e: {  	_ =	shalt  }
0x4f: {  	_ =	shalt  }
0x50: {  	_ =	shalt  }
0x51: {  	_ =	shalt  }
0x52: {  	_ =	shalt  }
0x53: {  	_ =	shalt  }
0x54: {  	_ =	shalt  }
0x55: {  	_ =	shalt  }
0x56: {  	_ =	shalt  }
0x57: {  	_ =	shalt  }
0x58: {  	_ =	shalt  }
0x59: {  	_ =	shalt  }
0x5a: {  	_ =	shalt  }
0x5b: {  	_ =	shalt  }
0x5c: {  	_ =	shalt  }
0x5d: {  	_ =	shalt  }
0x5e: {  	_ =	shalt  }
0x5f: {  	_ =	shalt  }
0x60: {  	_ =	shalt  }
0x61: {  	_ =	shalt  }
0x62: {  	_ =	shalt  }
0x63: {  	_ =	shalt  }
0x64: {  	_ =	shalt  }
0x65: {  	_ =	shalt  }
0x66: {  	_ =	shalt  }
0x67: {  	_ =	shalt  }
0x68: {  	_ =	shalt  }
0x69: {  	_ =	shalt  }
0x6a: {  	_ =	shalt  }
0x6b: {  	_ =	shalt  }
0x6c: {  	_ =	shalt  }
0x6d: {  	_ =	shalt  }
0x6e: {  	_ =	shalt  }
0x6f: {  	_ =	shalt  }
0x70: {  	_ =	shalt  }
0x71: {  	_ =	shalt  }
0x72: {  	_ =	shalt  }
0x73: {  	_ =	shalt  }
0x74: {  	_ =	shalt  }
0x75: {  	_ =	shalt  }
0x76: {  	_ =	shalt  }
0x77: {  	_ =	shalt  }
0x78: {  	_ =	shalt  }
0x79: {  	_ =	shalt  }
0x7a: {  	_ =	shalt  }
0x7b: {  	_ =	shalt  }
0x7c: {  	_ =	shalt  }
0x7d: {  	_ =	shalt  }
0x7e: {  	_ =	shalt  }
0x7f: {  	_ =	shalt  }
0x80: {  	_ =	shalt  }
0x81: {  	_ =	shalt  }
0x82: {  	_ =	shalt  }
0x83: {  	_ =	shalt  }
0x84: {  	_ =	shalt  }
0x85: {  	_ =	shalt  }
0x86: {  	_ =	shalt  }
0x87: {  	_ =	shalt  }
.Lfunc_end0:
.L_simem_size_0:
called_computation_lowered:
.L_overlay_start_0:
0x88: {  	s2 =	sld [smem:$0x3FD9]  }
0x89: {  	s3 =	sld [smem:$0x3FFE];
	_ =	sdelay $0x1  }
0x8a: {  	s1 =	srdreg.scid  }
0x8b: {  	s0 =	sand.u32 $0x1, s1  }
0x8c: {  	s17 =	sshll.u32 s0, $0xA;
	s2 =	sadd.s32 s3, s2  }
0x8d: {  	s2 =	sadd.s32 s2, s17  }
0x8e: {  	[smem:$0x3FC0] =	sst s2  }
0x8f: {  	_ = 	snop  }
0x90: {  	s2 =	sld [smem:$0x3FD0];
	(tm) =	ssettm $0x1  }
0x91: {  	s18 =	sld [smem:$0x3FFB];
	_ =	sdelay $0x3  }
0x92: {  	_ =	strace s18  }
0x93: {  	s3 =	sld [smem:$0x3FFC];
	_ =	sdelay $0x3  }
0x94: {  	_ =	strace s3  }
0x95: {  	s3 =	sld [smem:$0x3FFD];
	_ =	sdelay $0x3  }
0x96: {  	_ =	strace s3  }
0x97: {  	_ =	strace $0x8FFFFFFF  }
0x98: {  	s19 =	sld [smem:$0x3FDB];
	_ =	sdelay $0x1  }
0x99: {  	s4 =	simm.s32 $_scs_section_size  }
0x9a: {  	s5 =	simm.s32 $_size__tile_overlayer_lowered;
	s6 =	simm.s32 $_tile_overlayer_lowered  }
0x9b: {  	s22 =	simm.s32 $0x1BFF;
	s21 =	sshll.u32 s6, $0x1;
	s3 =	sadd.s32 s4, s19  }
0x9c: {  	s7 =	simm.s32 $0x0;
	s20 =	sshll.u32 s5, $0x1;
	s5 =	sadd.s32 s21, s3  }
0x9d: {  	[timem:s7], [sflag:s22] =	dma.local [hbm:s5], s20  }
0x9e: {  	_ =	swait.ge [sflag:s22], s20  }
0x9f: {  	s4 =	ssub.s32 $0x0, s20;
	[sflag:s22] =	ssyncset.done $0x0  }
0xa0: {  	[sflag:s22] =	ssyncadd.s32 s4;
	_ =	sdelay $0x1  }
0xa1: {  	s23 =	simm.s32 $0x1B8B  }
0xa2: {  	_ =	swait.ge [sflag:s23], $0x1  }
0xa3: {  	[sflag:s23] =	ssyncset.done $0x0  }
0xa4: {  	s25 =	simm.s32 $0x1B8E;
	s24 =	sld [smem:$0x3FFE];
	[sflag:s23] =	ssyncadd.s32 $0xFFFFFFFF  }
0xa5: {  	s26 =	simm.s32 $execute0_lowered;
	[smem:$0x3FD2] =	sst s25  }
0xa6: {  	s5 =	sshll.u32 s26, $0x1;
	_ =	strace $0x80000046;
	[dreg:$0x1] =	wrdreg $0xFFFFFFFF  }
0xa7: {  	s28 =	simm.s32 $_size_execute0_lowered;
	s3 =	sadd.s32 s3, s5;
	[dreg:$0x0] =	wrdreg $0x0  }
0xa8: {  	s5 =	sshll.u32 s28, $0x1;
	[dreg:$0x2] =	wrdreg s3  }
0xa9: {  	[dreg:$0x3] =	wrdreg s5  }
0xaa: {  	[dreg:$0x4] =	wrdreg $0xC0  }
0xab: {  	_ =	task [dreg:s7], $0x5FFFF  }
0xac: {  	[dreg:$0x1] =	wrdreg $0xFFFFFFFF  }
0xad: {  	[dreg:$0x0] =	wrdreg $0x60  }
0xae: {  	[dreg:$0x2] =	wrdreg s24  }
0xaf: {  	[dreg:$0x3] =	wrdreg s2  }
0xb0: {  	[dreg:$0x4] =	wrdreg $0x5B000  }
0xb1: {  	[dreg:$0x5] =	wrdreg $0x9  }
0xb2: {  	_ =	task.clear_ibuf [dreg:s7], $0x6FFFF;
	_ =	strace $0x90000046  }
0xb3: {  	s29 =	simm.s32 $0x9;
	_ =	strace $0x80000048  }
0xb4: {  	_ =	swait.ge [sflag:s29], $0x1  }
0xb5: {  	[sflag:s29] =	ssyncadd.s32 $0xFFFFFFFF  }
0xb6: {  	_ =	strace $0x90000048  }
0xb7: {  	_ =	sfence  }
0xb8: {  	s30 =	sld [smem:$0x0];
	_ =	sdelay $0x2  }
0xb9: {  	s31 =	sshll.u32 s1, $0xD;
	s1 =	sshrl.u32 s1, $0x2  }
0xba: {  	s3 =	sand.u32 $0x4000, s31;
	s1 =	sadd.s32 s1, s30  }
0xbb: {  	s0 =	sor.u32 s3, s0;
	s1 =	sshll.u32 s1, $0x11  }
0xbc: {  	s0 =	sor.u32 s1, s0  }
0xbd: {  	s0 =	sadd.s32 $0x8F2B, s0  }
0xbe: {  	[sflag:s0] =	ssyncadd.remote.s32 $0x1  }
0xbf: {  	_ =	sfence.sel $0xFFFF  }
0xc0: {  	[dreg:$0x0] =	wrdreg $0xFFFFFFFF;
	(pc) =	sbr.abs _section_cstart, $3  }
0xc1: {  	[dreg:$0x1] =	wrdreg $0xFFFFFFFF  }
0xc2: {  	_ =	task.clear_ibuf [dreg:s7], $0x2FFFF;
	_ =	strace $0x9FFFFFFF  }
0xc3: {  	(tm) =	ssettm $0x7FFFFFFF  }
tec
execute0_lowered:
.L_overlay_start_1:
0x0: {  	(tag) =	ssettag $0x1  }
0x1: {  	s0 =	rddreg [dreg:$0x0]  }
0x2: {  	s2 =	rddreg [dreg:$0x2]  }
0x3: {  	s4 =	simm.s32 $0x0;
	s1 =	srdreg.scid;
	s14 =	stileid.u32  }
0x4: {  	[smem:$0x7FF] =	sst s4;
	s1 =	sand.u32 $0x1, s1;
	s3 =	smul.u32 $0x61C00, s14  }
0x5: {  	s6 =	sadd.s32 $0x33800, s0;
	s7 =	sadd.s32 $0x340C00, s0;
	s5 =	sadd.s32 $0x2A00, s0  }
0x6: {  	s0 =	sadd.s32 $0x64E000, s0;
	p0 =	slt.u32 s14, $0x5;
	s3 =	sshrl.u32 s3, $0x2  }
0x7: {  	s16 =	sshll.u32 s14, $0xA;
	_ =	strace $0x80000047;
	s3 =	sadd.s32 s3, s2  }
0x8: {  	s8 =	ssub.s32 $0x2, s1;
	[dreg:$0x4] =	wrdreg s0;
	s31 =	sadd.s32 $0x1700, s3  }
0x9: {  	s20 =	sadd.s32 s16, s7;
	s10 =	sadd.s32 $0x2E00, s3;
	[dreg:$0x5] =	wrdreg s31  }
0xa: {  	s9 =	sshrl.u32 s8, $0x1;
	s11 =	sadd.s32 $0x4500, s3;
	[dreg:$0x6] =	wrdreg s10  }
0xb: {  	s20 =	sadd.s32 $0xC000, s20;
	s12 =	sadd.s32 $0x5C00, s3;
	[dreg:$0x7] =	wrdreg s11  }
0xc: {  	s0 =	ssub.s32 s8, s9;
	s13 =	sadd.s32 $0x7300, s3;
	[dreg:$0x8] =	wrdreg s12  }
0xd: {  	s8 =	smul.u32 $0x18700, s14;
	s15 =	sadd.s32 $0x8A00, s3;
	[dreg:$0x9] =	wrdreg s13  }
0xe: {  	s9 =	simm.s32 $0x4400;
	s21 =	sadd.s32 $0xCF00, s3;
	[dreg:$0xa] =	wrdreg s15  }
0xf: {  	s22 =	sadd.s32 $0xE600, s3;
	s23 =	sadd.s32 $0xFD00, s3;
	[dreg:$0xe] =	wrdreg s21  }
0x10: {  	s24 =	sadd.s32 $0x11400, s3;
	s25 =	sadd.s32 $0x12B00, s3;
	[dreg:$0xf] =	wrdreg s22  }
0x11: {  	s26 =	sadd.s32 $0x14200, s3;
	s30 =	smax.u32 s0, $0x1;
	[dreg:$0x10] =	wrdreg s23  }
0x12: {  	s13 =	simm.s32 $0xC4;
	s10 =	sshll.u32 s14, $0x9;
	[dreg:$0x11] =	wrdreg s24  }
0x13: {  	s11 =	sadd.s32 s16, s6;
	s12 =	sadd.s32 $0xA100, s3;
	[dreg:$0x12] =	wrdreg s25  }
0x14: {  	s15 =	sadd.s32 $0xB800, s3;
	[dreg:$0x13] =	wrdreg s26;
	s31 =	sadd.s32 $0x15900, s3  }
0x15: {  	s3 =	sadd.s32 $0x17000, s3;
	s28 =	sadd.s32 s8, s2;
	[dreg:$0xb] =	wrdreg s12  }
0x16: {  	s29 =	sshrl.u32 s8, $0x3;
	s13 =	simm.s32 @!p0 $0xC3;
	[dreg:$0xc] =	wrdreg s15  }
0x17: {  	p0 =	seq.s32 s1, $0x1;
	s17 =	sor.u32 $0x2000, s10;
	[dreg:$0x14] =	wrdreg s31  }
0x18: {  	[dreg:$0x15] =	wrdreg s3;
	s22 =	sor.u32 $0x6000, s10;
	s21 =	sadd.s32 $0xC000, s11  }
0x19: {  	s10 =	simm.s32 $0x6;
	s18 =	sshll.u32 s17, $0x1;
	s6 =	smov.u32 @p0 s7  }
.Ltmp0:
0x1a: {  	s1 =	sshrl.u32 s17, $0x3;
	s12 =	sadd.s32 s6, s18;
	(pc) =	sbr.rel .LBB2_1-.Ltmp0, $4  }
0x1b: {  	s11 =	simm.s32 $0x4200;
	s1 =	sadd.s32 s5, s1;
	[dreg:$0xd] =	wrdreg s12  }
0x1c: {  	s7 =	sadd.s32 $0xFFFFFFFF, s13;
	s19 =	sadd.s32 s6, s16;
	[dreg:$0x16] =	wrdreg s1  }
0x1d: {  	s1 =	sshll.u32 s14, $0x6;
	s26 =	smov.u32 s19;
	s19 =	sadd.s32 $0x8000, s19  }
0x1e: {  	v0 =	vimm.f32 $0.0e+00;
	s12 =	simm.s32 $0x2000;
	s14 =	simm.s32 $0x0;
	s6 =	sadd.s32 s5, s1  }
.LBB2_7:
0x1f: {  	[bflag:$0x0] =	sbarrier.arrive $0xFFFF  }
.LBB2_13:
0x20: {  	s0 =	rddreg [dreg:$0x4]  }
.LBB2_14:
0x21: {  	s14 =	sadd.s32 $0x1, s14  }
0x22: {  	s0 =	sadd.s32 s0, s29;
	p1 =	sne.s32 s14, s30  }
.Ltmp1:
0x23: {  	s3 =	sor.u32 $0x1C06, s1;
	s8 =	sshrl.u32 s28, $0x3;
	(pc) =	sbr.rel @!p1 .LBB2_15-.Ltmp1, $4  }
0x24: {  	[hbm:s0], [sflag:s3] =	dma.local [spmem:s8], $0x30E0  }
0x25: {  	_ =	swait.ge [sflag:s10], $0x30E0  }
0x26: {  	[sflag:s10] =	ssyncset.done $0x0  }
0x27: {  	[sflag:s10] =	ssyncadd.s32 $0xFFFFCF20  }
.LBB2_1:
0x28: {  	s0 =	simm.s32 $0x40;
	s3 =	simm.s32 $0x0  }
.LBB2_2:
0x29: {  	p1 =	sne.s32 s0, $0x5BC0;
	[tilespmem:s3+$0x4400] =	vst v0;
	s3 =	smov.u32 s0;
	s0 =	sadd.s32 $0x40, s0  }
.Ltmp2:
0x2a: {  	(pc) =	sbr.rel @p1 .LBB2_2-.Ltmp2, $2  }
0x2b: {  	_ =	sdelay $0x2  }
0x2c: {  	s3 =	sshra.s32 s3, $0x2  }
0x2d: {  	[tilespmem:s3+$0x4400] =	vst v0  }
0x2e: {  	[spmem:s28] =	stream.linear.scatter [tilespmem:s9], [sflag:$0x6], $0x1700, $0x38;
	[tilespmem:$0x1E200] =	vst v63  }
0x2f: {  	_ =	swait.ge [sflag:s10], $0x1700  }
0x30: {  	[sflag:s10] =	ssyncset.done $0x0  }
0x31: {  	s0 =	rddreg [dreg:$0x5];
	[sflag:s10] =	ssyncadd.s32 $0xFFFFE900  }
0x32: {  	[spmem:s0] =	stream.linear.scatter [tilespmem:s9], [sflag:$0x6], $0x1700, $0x38;
	[tilespmem:$0x1E200] =	vst v63  }
0x33: {  	_ =	swait.ge [sflag:s10], $0x1700  }
0x34: {  	[sflag:s10] =	ssyncset.done $0x0  }
0x35: {  	s3 =	rddreg [dreg:$0x6];
	[sflag:s10] =	ssyncadd.s32 $0xFFFFE900  }
0x36: {  	[spmem:s3] =	stream.linear.scatter [tilespmem:s9], [sflag:$0x6], $0x1700, $0x38;
	[tilespmem:$0x1E200] =	vst v63  }
0x37: {  	_ =	swait.ge [sflag:s10], $0x1700  }
0x38: {  	[sflag:s10] =	ssyncset.done $0x0  }
0x39: {  	s8 =	rddreg [dreg:$0x7];
	[sflag:s10] =	ssyncadd.s32 $0xFFFFE900  }
0x3a: {  	[spmem:s8] =	stream.linear.scatter [tilespmem:s9], [sflag:$0x6], $0x1700, $0x38;
	[tilespmem:$0x1E200] =	vst v63  }
0x3b: {  	_ =	swait.ge [sflag:s10], $0x1700  }
0x3c: {  	[sflag:s10] =	ssyncset.done $0x0  }
0x3d: {  	s15 =	rddreg [dreg:$0x8];
	[sflag:s10] =	ssyncadd.s32 $0xFFFFE900  }
0x3e: {  	[spmem:s15] =	stream.linear.scatter [tilespmem:s9], [sflag:$0x6], $0x1700, $0x38;
	[tilespmem:$0x1E200] =	vst v63  }
0x3f: {  	_ =	swait.ge [sflag:s10], $0x1700  }
0x40: {  	[sflag:s10] =	ssyncset.done $0x0  }
0x41: {  	s16 =	rddreg [dreg:$0x9];
	[sflag:s10] =	ssyncadd.s32 $0xFFFFE900  }
0x42: {  	[spmem:s16] =	stream.linear.scatter [tilespmem:s9], [sflag:$0x6], $0x1700, $0x38;
	[tilespmem:$0x1E200] =	vst v63  }
0x43: {  	_ =	swait.ge [sflag:s10], $0x1700  }
0x44: {  	[sflag:s10] =	ssyncset.done $0x0  }
0x45: {  	s17 =	rddreg [dreg:$0xa];
	[sflag:s10] =	ssyncadd.s32 $0xFFFFE900  }
0x46: {  	[spmem:s17] =	stream.linear.scatter [tilespmem:s9], [sflag:$0x6], $0x1700, $0x38;
	[tilespmem:$0x1E200] =	vst v63  }
0x47: {  	_ =	swait.ge [sflag:s10], $0x1700  }
0x48: {  	[sflag:s10] =	ssyncset.done $0x0  }
0x49: {  	s18 =	rddreg [dreg:$0xb];
	[sflag:s10] =	ssyncadd.s32 $0xFFFFE900  }
0x4a: {  	[spmem:s18] =	stream.linear.scatter [tilespmem:s9], [sflag:$0x6], $0x1700, $0x38;
	[tilespmem:$0x1E200] =	vst v63  }
0x4b: {  	_ =	swait.ge [sflag:s10], $0x1700  }
0x4c: {  	[sflag:s10] =	ssyncset.done $0x0  }
0x4d: {  	s23 =	rddreg [dreg:$0xc];
	[sflag:s10] =	ssyncadd.s32 $0xFFFFE900  }
0x4e: {  	[spmem:s23] =	stream.linear.scatter [tilespmem:s9], [sflag:$0x6], $0x1700, $0x38;
	[tilespmem:$0x1E200] =	vst v63  }
0x4f: {  	_ =	swait.ge [sflag:s10], $0x1700  }
0x50: {  	[sflag:s10] =	ssyncset.done $0x0  }
0x51: {  	s24 =	rddreg [dreg:$0xe];
	[sflag:s10] =	ssyncadd.s32 $0xFFFFE900  }
0x52: {  	[spmem:s24] =	stream.linear.scatter [tilespmem:s9], [sflag:$0x6], $0x1700, $0x38;
	[tilespmem:$0x1E200] =	vst v63  }
0x53: {  	_ =	swait.ge [sflag:s10], $0x1700  }
0x54: {  	[sflag:s10] =	ssyncset.done $0x0  }
0x55: {  	s25 =	rddreg [dreg:$0xf];
	[sflag:s10] =	ssyncadd.s32 $0xFFFFE900  }
0x56: {  	[spmem:s25] =	stream.linear.scatter [tilespmem:s9], [sflag:$0x6], $0x1700, $0x38;
	[tilespmem:$0x1E200] =	vst v63  }
0x57: {  	_ =	swait.ge [sflag:s10], $0x1700  }
0x58: {  	[sflag:s10] =	ssyncset.done $0x0  }
0x59: {  	s3 =	rddreg [dreg:$0x10];
	[sflag:s10] =	ssyncadd.s32 $0xFFFFE900  }
0x5a: {  	[spmem:s3] =	stream.linear.scatter [tilespmem:s9], [sflag:$0x6], $0x1700, $0x38;
	[tilespmem:$0x1E200] =	vst v63  }
0x5b: {  	_ =	swait.ge [sflag:s10], $0x1700  }
0x5c: {  	[sflag:s10] =	ssyncset.done $0x0  }
0x5d: {  	s8 =	rddreg [dreg:$0x11];
	[sflag:s10] =	ssyncadd.s32 $0xFFFFE900  }
0x5e: {  	[spmem:s8] =	stream.linear.scatter [tilespmem:s9], [sflag:$0x6], $0x1700, $0x38;
	[tilespmem:$0x1E200] =	vst v63  }
0x5f: {  	_ =	swait.ge [sflag:s10], $0x1700  }
0x60: {  	[sflag:s10] =	ssyncset.done $0x0  }
0x61: {  	s15 =	rddreg [dreg:$0x12];
	[sflag:s10] =	ssyncadd.s32 $0xFFFFE900  }
0x62: {  	[spmem:s15] =	stream.linear.scatter [tilespmem:s9], [sflag:$0x6], $0x1700, $0x38;
	[tilespmem:$0x1E200] =	vst v63  }
0x63: {  	_ =	swait.ge [sflag:s10], $0x1700  }
0x64: {  	[sflag:s10] =	ssyncset.done $0x0  }
0x65: {  	s16 =	rddreg [dreg:$0x13];
	[sflag:s10] =	ssyncadd.s32 $0xFFFFE900  }
0x66: {  	[spmem:s16] =	stream.linear.scatter [tilespmem:s9], [sflag:$0x6], $0x1700, $0x38;
	[tilespmem:$0x1E200] =	vst v63  }
0x67: {  	_ =	swait.ge [sflag:s10], $0x1700  }
0x68: {  	[sflag:s10] =	ssyncset.done $0x0  }
0x69: {  	s17 =	rddreg [dreg:$0x14];
	[sflag:s10] =	ssyncadd.s32 $0xFFFFE900  }
0x6a: {  	[spmem:s17] =	stream.linear.scatter [tilespmem:s9], [sflag:$0x6], $0x1700, $0x38;
	[tilespmem:$0x1E200] =	vst v63  }
0x6b: {  	_ =	swait.ge [sflag:s10], $0x1700  }
0x6c: {  	[sflag:s10] =	ssyncset.done $0x0  }
0x6d: {  	s18 =	rddreg [dreg:$0x15];
	[sflag:s10] =	ssyncadd.s32 $0xFFFFE900  }
0x6e: {  	[spmem:s18] =	stream.linear.scatter [tilespmem:s9], [sflag:$0x6], $0x1700, $0x38;
	[tilespmem:$0x1E200] =	vst v63  }
0x6f: {  	_ =	swait.ge [sflag:s10], $0x1700  }
0x70: {  	[sflag:s10] =	ssyncset.done $0x0  }
0x71: {  	[sflag:s10] =	ssyncadd.s32 $0xFFFFE900  }
0x72: {  	s23 =	simm.s32 $0x4000;
	s15 =	simm.s32 $0x0;
	[bflag:$0x0] =	sbarrier.arrive $0xFFFF  }
0x73: {  	[tilespmem:s23], [sflag:$0x1] =	stream.linear.gather [hbm4b:s6+s15], $0x200, $0x38;
	[tilespmem:$0x1E200] =	vst v63  }
0x74: {  	_ = 	snop  }
0x75: {  	[tilespmem:s15], [sflag:$0x3] =	stream.linear.gather [hbm4b:s26+s15], $0x2000, $0x38;
	[tilespmem:$0x1E200] =	vst v63  }
.Ltmp3:
0x76: {  	s31 =	smov.u32 s22;
	s0 =	smov.u32 s21;
	(pc) =	sbr.rel .LBB2_4-.Ltmp3, $4  }
0x77: {  	s3 =	smov.u32 s20;
	s8 =	smov.u32 s19;
	s24 =	rddreg [dreg:$0x16]  }
0x78: {  	[tilespmem:s11], [sflag:$0x2] =	stream.linear.gather [hbm4b:s24+s15], $0x200, $0x38;
	[tilespmem:$0x1E200] =	vst v63  }
0x79: {  	s16 =	simm.s32 $0x61;
	s18 =	simm.s32 $0x3;
	s25 =	rddreg [dreg:$0xd]  }
0x7a: {  	[tilespmem:s12], [sflag:$0x4] =	stream.linear.gather [hbm4b:s25+s15], $0x2000, $0x38;
	[tilespmem:$0x1E200] =	vst v63  }
.LBB2_8:
0x7b: {  	p1 =	seq.s32 s16, $0x0  }
.Ltmp4:
0x7c: {  	_ = 	snop;
	(pc) =	sbr.rel @p1 .LBB2_12-.Ltmp4, $1  }
0x7d: {  	_ =	sdelay $0x3  }
.LBB2_9:
0x7e: {  	s16 =	sadd.s32 $0xFFFFFFFF, s16;
	s31 =	sadd.s32 $0x4000, s31;
	s0 =	sadd.s32 $0x8000, s0  }
0x7f: {  	s3 =	sadd.s32 $0x8000, s3;
	s18 =	sadd.s32 $0x2, s18;
	s8 =	sadd.s32 $0x8000, s8  }
.LBB2_4:
0x80: {  	s23 =	sadd.s32 $0xFFFFFFFD, s18  }
0x81: {  	p1 =	sge.u32 s23, s13  }
0x82: {  	s17 =	simm.s32 @!p1 $0x1  }
0x83: {  	_ =	swait.ge @!p1 [sflag:s17], $0x200  }
0x84: {  	[sflag:s17] =	ssyncset.done @!p1 $0x0  }
0x85: {  	[sflag:s17] =	ssyncadd.s32 @!p1 $0xFFFFFE00;
	s17 =	simm.s32 @!p1 $0x3  }
0x86: {  	_ =	swait.ge @!p1 [sflag:s17], $0x2000  }
0x87: {  	s24 =	simm.s32 @!p1 $0x4000;
	[sflag:s17] =	ssyncset.done @!p1 $0x0  }
0x88: {  	s25 =	simm.s32 @!p1 $0x0;
	[sflag:s17] =	ssyncadd.s32 @!p1 $0xFFFFE000;
	s17 =	simm.s32 @!p1 $0x80  }
0x89: {  	[spmem:s2] =	stream.indirect.scatter.add.f32 @!p1 [tilespmem:s25], [sflag:$0x5], $0x10, s24, s17, $0xb8;
	[tilespmem:$0x1E200] =	vst v63  }
0x8a: {  	s24 =	simm.s32 @!p1 $0x4080;
	s25 =	simm.s32 @!p1 $0x800  }
0x8b: {  	[spmem:s2] =	stream.indirect.scatter.add.f32 @!p1 [tilespmem:s25], [sflag:$0x5], $0x10, s24, s17, $0xb8;
	[tilespmem:$0x1E200] =	vst v63  }
0x8c: {  	s24 =	simm.s32 @!p1 $0x4100;
	s25 =	simm.s32 @!p1 $0x1000  }
0x8d: {  	[spmem:s2] =	stream.indirect.scatter.add.f32 @!p1 [tilespmem:s25], [sflag:$0x5], $0x10, s24, s17, $0xb8;
	[tilespmem:$0x1E200] =	vst v63  }
0x8e: {  	s24 =	simm.s32 @!p1 $0x4180;
	s25 =	simm.s32 @!p1 $0x1800  }
0x8f: {  	[spmem:s2] =	stream.indirect.scatter.add.f32 @!p1 [tilespmem:s25], [sflag:$0x5], $0x10, s24, s17, $0xb8;
	[tilespmem:$0x1E200] =	vst v63  }
0x90: {  	s17 =	simm.s32 @!p1 $0x5  }
0x91: {  	_ =	swait.ge @!p1 [sflag:s17], $0x800  }
0x92: {  	[sflag:s17] =	ssyncset.done @!p1 $0x0  }
0x93: {  	[sflag:s17] =	ssyncadd.s32 @!p1 $0xFFFFF800  }
0x94: {  	_ =	swait.ge @!p1 [sflag:s17], $0x800  }
0x95: {  	[sflag:s17] =	ssyncset.done @!p1 $0x0  }
0x96: {  	[sflag:s17] =	ssyncadd.s32 @!p1 $0xFFFFF800  }
0x97: {  	_ =	swait.ge @!p1 [sflag:s17], $0x800  }
0x98: {  	s24 =	sadd.s32 @!p1 $0xFFFFFFFF, s18;
	[sflag:s17] =	ssyncset.done @!p1 $0x0  }
0x99: {  	p2 =	sge.u32 @!p1 s24, s13;
	[sflag:s17] =	ssyncadd.s32 @!p1 $0xFFFFF800  }
0x9a: {  	p2 =	por p2, p1;
	_ =	swait.ge @!p1 [sflag:s17], $0x800  }
0x9b: {  	s24 =	sadd.s32 @!p2 $0xFFFFE000, s31;
	[sflag:s17] =	ssyncset.done @!p1 $0x0  }
0x9c: {  	s25 =	simm.s32 @!p2 $0x4000;
	[sflag:s17] =	ssyncadd.s32 @!p1 $0xFFFFF800;
	s17 =	sshrl.u32 @!p2 s24, $0x3  }
0x9d: {  	s24 =	simm.s32 @!p2 $0x0;
	p1 =	sge.u32 s23, s7;
	s17 =	sadd.s32 @!p2 s5, s17  }
0x9e: {  	[tilespmem:s25], [sflag:$0x1] =	stream.linear.gather @!p2 [hbm4b:s17+s24], $0x200, $0x38;
	[tilespmem:$0x1E200] =	vst v63  }
0x9f: {  	s17 =	simm.s32 @!p1 $0x2  }
0xa0: {  	[tilespmem:s24], [sflag:$0x3] =	stream.linear.gather @!p2 [hbm4b:s8+s24], $0x2000, $0x38;
	[tilespmem:$0x1E200] =	vst v63  }
0xa1: {  	_ =	swait.ge @!p1 [sflag:s17], $0x200  }
0xa2: {  	[sflag:s17] =	ssyncset.done @!p1 $0x0  }
0xa3: {  	[sflag:s17] =	ssyncadd.s32 @!p1 $0xFFFFFE00;
	s17 =	simm.s32 @!p1 $0x4  }
0xa4: {  	_ =	swait.ge @!p1 [sflag:s17], $0x2000  }
0xa5: {  	s23 =	simm.s32 @!p1 $0x4200;
	[sflag:s17] =	ssyncset.done @!p1 $0x0  }
0xa6: {  	s24 =	simm.s32 @!p1 $0x2000;
	[sflag:s17] =	ssyncadd.s32 @!p1 $0xFFFFE000;
	s17 =	simm.s32 @!p1 $0x80  }
0xa7: {  	[spmem:s2] =	stream.indirect.scatter.add.f32 @!p1 [tilespmem:s24], [sflag:$0x5], $0x10, s23, s17, $0xb8;
	[tilespmem:$0x1E200] =	vst v63  }
0xa8: {  	s23 =	simm.s32 @!p1 $0x4280;
	s24 =	simm.s32 @!p1 $0x2800  }
0xa9: {  	[spmem:s2] =	stream.indirect.scatter.add.f32 @!p1 [tilespmem:s24], [sflag:$0x5], $0x10, s23, s17, $0xb8;
	[tilespmem:$0x1E200] =	vst v63  }
0xaa: {  	s23 =	simm.s32 @!p1 $0x4300;
	s24 =	simm.s32 @!p1 $0x3000  }
0xab: {  	[spmem:s2] =	stream.indirect.scatter.add.f32 @!p1 [tilespmem:s24], [sflag:$0x5], $0x10, s23, s17, $0xb8;
	[tilespmem:$0x1E200] =	vst v63  }
0xac: {  	s23 =	simm.s32 @!p1 $0x4380;
	s24 =	simm.s32 @!p1 $0x3800  }
0xad: {  	[spmem:s2] =	stream.indirect.scatter.add.f32 @!p1 [tilespmem:s24], [sflag:$0x5], $0x10, s23, s17, $0xb8;
	[tilespmem:$0x1E200] =	vst v63  }
0xae: {  	s17 =	simm.s32 @!p1 $0x5  }
0xaf: {  	_ =	swait.ge @!p1 [sflag:s17], $0x800  }
0xb0: {  	[sflag:s17] =	ssyncset.done @!p1 $0x0  }
0xb1: {  	[sflag:s17] =	ssyncadd.s32 @!p1 $0xFFFFF800  }
0xb2: {  	_ =	swait.ge @!p1 [sflag:s17], $0x800  }
0xb3: {  	[sflag:s17] =	ssyncset.done @!p1 $0x0  }
0xb4: {  	p2 =	sge.u32 @!p1 s18, s13;
	[sflag:s17] =	ssyncadd.s32 @!p1 $0xFFFFF800  }
0xb5: {  	p2 =	por p1, p2;
	_ =	swait.ge @!p1 [sflag:s17], $0x800  }
.Ltmp5:
0xb6: {  	[sflag:s17] =	ssyncset.done @!p1 $0x0;
	(pc) =	sbr.rel @p2 .LBB2_8-.Ltmp5, $4  }
0xb7: {  	[sflag:s17] =	ssyncadd.s32 @!p1 $0xFFFFF800  }
0xb8: {  	_ =	swait.ge @!p1 [sflag:s17], $0x800  }
0xb9: {  	[sflag:s17] =	ssyncset.done @!p1 $0x0  }
0xba: {  	s15 =	sadd.s32 $0x1, s15;
	[sflag:s17] =	ssyncadd.s32 @!p1 $0xFFFFF800  }
.Ltmp6:
0xbb: {  	(pc) =	sbr.rel @!p0 .LBB2_10-.Ltmp6, $4  }
0xbc: {  	_ = 	snop  }
0xbd: {  	s17 =	sshrl.u32 s31, $0x3  }
0xbe: {  	p1 =	sne.s32 s16, $0x0;
	s17 =	sadd.s32 s5, s17  }
0xbf: {  	[tilespmem:s11], [sflag:$0x2] =	stream.linear.gather [hbm4b:s17+s4], $0x200, $0x38;
	[tilespmem:$0x1E200] =	vst v63  }
.Ltmp7:
0xc0: {  	(pc) =	sbr.rel @p1 .LBB2_9-.Ltmp7, $4  }
.Ltmp8:
0xc1: {  	(pc) =	sbr.rel @!p1 .LBB2_7-.Ltmp8, $4  }
0xc2: {  	_ = 	snop  }
0xc3: {  	_ = 	snop  }
0xc4: {  	[tilespmem:s12], [sflag:$0x4] =	stream.linear.gather [hbm4b:s3+s4], $0x2000, $0x38;
	[tilespmem:$0x1E200] =	vst v63  }
0xc5: {  	_ = 	snop  }
.LBB2_10:
.Ltmp9:
0xc6: {  	(pc) =	sbr.rel @p1 .LBB2_9-.Ltmp9, $2  }
0xc7: {  	_ =	sdelay $0x2  }
0xc8: {  	[tilespmem:s12], [sflag:$0x4] =	stream.linear.gather [hbm4b:s0+s4], $0x2000, $0x38;
	[tilespmem:$0x1E200] =	vst v63  }
.Ltmp10:
0xc9: {  	(pc) =	sbr.rel .LBB2_14-.Ltmp10, $3  }
0xca: {  	_ =	sdelay $0x1  }
0xcb: {  	[bflag:$0x0] =	sbarrier.arrive $0xFFFF  }
0xcc: {  	s0 =	rddreg [dreg:$0x1]  }
.LBB2_12:
.Ltmp11:
0xcd: {  	(pc) =	sbr.rel @!p0 .LBB2_14-.Ltmp11, $4  }
.Ltmp12:
0xce: {  	(pc) =	sbr.rel @p0 .LBB2_13-.Ltmp12, $4  }
0xcf: {  	_ = 	snop  }
0xd0: {  	[bflag:$0x0] =	sbarrier.arrive $0xFFFF  }
0xd1: {  	s0 =	rddreg [dreg:$0x1]  }
0xd2: {  	_ = 	snop  }
.LBB2_15:
0xd3: {  	_ =	sfence.sel $0x180000  }
0xd4: {  	[bflag:$0x0] =	sbarrier.arrive $0xFFFF  }
0xd5: {  	_ =	strace $0x90000047  }
0xd6: {  	s0 =	stileid.u32;
	[bflag:$0x2] =	sbarrier.arrive $0xFFFF  }
0xd7: {  	p0 =	sne.s32 s0, $0x0;
	s0 =	rddreg [dreg:$0x3]  }
0xd8: {  	s0 =	sadd.s32 @!p0 $0x100000, s0  }
0xd9: {  	[sflag:s0] =	ssyncadd.tile.s32 @!p0 $0x1;
	_ =	shalt  }
.Lfunc_end2:
_tile_overlayer_lowered:
.L_overlay_start_2:
0xda: {  	(tag) =	ssettag $0x2  }
0xdb: {  	s0 =	rddreg [dreg:$0x0];
	s2 =	stileid.u32  }
0xdc: {  	s1 =	rddreg [dreg:$0x1];
	p0 =	sne.s32 s2, $0x0  }
0xdd: {  	s3 =	rddreg [dreg:$0x2];
	[bflag:$0x3] =	sbarrier.arrive $0xFFFF;
	s2 =	simm.s32 @!p0 $0x1C06  }
0xde: {  	[timem:s3], [sflag:s2] =	dma.local @!p0 [hbm:s0], s1  }
0xdf: {  	s0 =	simm.s32 @!p0 $0x6  }
0xe0: {  	_ =	swait.ge @!p0 [sflag:s0], s1  }
0xe1: {  	s1 =	ssub.s32 @!p0 $0x0, s1;
	[sflag:s0] =	ssyncset.done @!p0 $0x0  }
0xe2: {  	[sflag:s0] =	ssyncadd.s32 @!p0 s1  }
0xe3: {  	[bflag:$0x3] =	sbarrier.arrive $0xFFFF  }
0xe4: {  	_ =	shalt  }

</sc_bundles>
